<compile_context>
chip_gen: v7x
topology: tpu7x:2x2x1
jax: 0.10.2.dev20260603
libtpu: 0.0.44.dev20260713+nightly
codegen_flags: <defaults>
</compile_context>

<pallas_src>
import functools

import jax
import jax.numpy as jnp
from jax import lax
from jax.experimental import pallas as pl
from jax.experimental.pallas import tpu as pltpu
from jax.experimental.pallas import tpu_sc as plsc

N = 1048576
LANES = 16
BLK = 128
NUM_BLOCKS = N // BLK
VECS_PER_BLK = BLK // LANES

SC_BLOCKS = 4608
TC_BLOCKS = NUM_BLOCKS - SC_BLOCKS

NUM_WORKERS = 32
BLOCKS_PER_WORKER = SC_BLOCKS // NUM_WORKERS
ROWS_PER_WORKER = BLOCKS_PER_WORKER * BLK
NUM_CHUNKS = 6
BLOCKS_PER_CHUNK = BLOCKS_PER_WORKER // NUM_CHUNKS
ROWS_PER_CHUNK = ROWS_PER_WORKER // NUM_CHUNKS

TC_CHUNK = 512
TC_STEPS = TC_BLOCKS // TC_CHUNK


def _f1_counts_sc(xview, target):
  mesh = plsc.VectorSubcoreMesh(core_axis_name="c", subcore_axis_name="s")

  @functools.partial(
      pl.kernel,
      mesh=mesh,
      out_type=jax.ShapeDtypeStruct((NUM_WORKERS, LANES), jnp.int32),
      scratch_types=[
          pltpu.VMEM((BLOCKS_PER_WORKER, 2, BLK), jnp.float32),
          pltpu.VMEM((ROWS_PER_WORKER,), jnp.int32),
          pltpu.VMEM((LANES,), jnp.int32),
      ]
      + [pltpu.SemaphoreType.DMA] * (2 * NUM_CHUNKS),
      compiler_params=pltpu.CompilerParams(needs_layout_passes=False),
  )
  def body(x_hbm, t_hbm, out_hbm, x_v, t_v, stage_v, *sems):
    wid = lax.axis_index("s") * 2 + lax.axis_index("c")
    blk0 = wid * BLOCKS_PER_WORKER
    row0 = wid * ROWS_PER_WORKER

    copies = []
    for g in range(NUM_CHUNKS):
      cp_x = pltpu.async_copy(
          x_hbm.at[pl.ds(blk0 + g * BLOCKS_PER_CHUNK, BLOCKS_PER_CHUNK)],
          x_v.at[pl.ds(g * BLOCKS_PER_CHUNK, BLOCKS_PER_CHUNK)],
          sems[2 * g])
      cp_t = pltpu.async_copy(
          t_hbm.at[pl.ds(row0 + g * ROWS_PER_CHUNK, ROWS_PER_CHUNK)],
          t_v.at[pl.ds(g * ROWS_PER_CHUNK, ROWS_PER_CHUNK)],
          sems[2 * g + 1])
      copies.append((cp_x, cp_t))

    lane = lax.iota(jnp.int32, LANES)
    zero = jnp.zeros((LANES,), jnp.int32)
    one = jnp.ones((LANES,), jnp.int32)

    def blk_step(k, carry):
      acc_tp, acc_p, acc_t = carry
      for j in range(VECS_PER_BLK):
        c0 = x_v[k, 0, pl.ds(j * LANES, LANES)]
        c1 = x_v[k, 1, pl.ds(j * LANES, LANES)]
        tv = t_v[pl.ds(k * BLK + j * LANES, LANES)]
        pred = c1 > c0
        acc_p = acc_p + jnp.where(pred, one, zero)
        acc_tp = acc_tp + jnp.where(pred, tv, zero)
        acc_t = acc_t + tv
      return (acc_tp, acc_p, acc_t)

    acc = (zero, zero, zero)
    for g in range(NUM_CHUNKS):
      cp_x, cp_t = copies[g]
      cp_x.wait()
      cp_t.wait()
      acc = lax.fori_loop(
          g * BLOCKS_PER_CHUNK, (g + 1) * BLOCKS_PER_CHUNK, blk_step, acc)
    acc_tp, acc_p, acc_t = acc

    tp_s = jnp.sum(acc_tp)
    p_s = jnp.sum(acc_p)
    t_s = jnp.sum(acc_t)
    stage = jnp.where(lane == 0, tp_s,
                      jnp.where(lane == 1, p_s,
                                jnp.where(lane == 2, t_s, 0)))
    stage_v[...] = stage
    pltpu.sync_copy(stage_v, out_hbm.at[wid])

  return body(xview, target)


def _f1_counts_tc(xview_tc, tview_tc):
  def body(x_ref, t_ref, out_ref):
    i = pl.program_id(0)
    v = x_ref[...]
    q = pltpu.roll(v, 2 * TC_CHUNK - 1, 0)
    row = lax.broadcasted_iota(jnp.int32, (2 * TC_CHUNK, BLK), 0)
    even = (row & 1) == 0
    pred = (q > v) & even
    tv = t_ref[...]
    te = jnp.broadcast_to(tv[:, None, :], (TC_CHUNK, 2, BLK)).reshape(
        2 * TC_CHUNK, BLK)
    zero2 = jnp.zeros((2 * TC_CHUNK, BLK), jnp.int32)
    one2 = jnp.ones((2 * TC_CHUNK, BLK), jnp.int32)
    p_s = jnp.sum(jnp.where(pred, one2, zero2))
    tp_s = jnp.sum(jnp.where(pred, te, zero2))
    t_s = jnp.sum(tv)

    @pl.when(i == 0)
    def _init():
      out_ref[0, 0] = tp_s
      out_ref[0, 1] = p_s
      out_ref[0, 2] = t_s

    @pl.when(i != 0)
    def _acc():
      out_ref[0, 0] += tp_s
      out_ref[0, 1] += p_s
      out_ref[0, 2] += t_s

  return pl.pallas_call(
      body,
      grid=(TC_STEPS,),
      in_specs=[
          pl.BlockSpec((2 * TC_CHUNK, BLK),
                       lambda i: (SC_BLOCKS // TC_CHUNK + i, 0)),
          pl.BlockSpec((TC_CHUNK, BLK),
                       lambda i: (SC_BLOCKS // TC_CHUNK + i, 0)),
      ],
      out_specs=pl.BlockSpec(memory_space=pltpu.SMEM),
      out_shape=jax.ShapeDtypeStruct((1, 3), jnp.int32),
      compiler_params=pltpu.CompilerParams(
          dimension_semantics=("arbitrary",)),
  )(xview_tc, tview_tc)


def _finalize_tc(parts_sc, parts_tc):
  def fin(sc_ref, tc_ref, out_ref):
    x = sc_ref[...]
    col = lax.broadcasted_iota(jnp.int32, (NUM_WORKERS, LANES), 1)
    zero = jnp.zeros((NUM_WORKERS, LANES), jnp.int32)
    tp = (jnp.sum(jnp.where(col == 0, x, zero)) + tc_ref[0, 0]).astype(
        jnp.float32)
    p = (jnp.sum(jnp.where(col == 1, x, zero)) + tc_ref[0, 1]).astype(
        jnp.float32)
    t = (jnp.sum(jnp.where(col == 2, x, zero)) + tc_ref[0, 2]).astype(
        jnp.float32)
    fp = p - tp
    fn = t - tp
    precision = tp / (tp + fp + 1e-10)
    recall = tp / (tp + fn + 1e-10)
    out_ref[0, 0] = 2 * precision * recall / (precision + recall + 1e-10)

  out = pl.pallas_call(
      fin,
      in_specs=[
          pl.BlockSpec(memory_space=pltpu.VMEM),
          pl.BlockSpec(memory_space=pltpu.SMEM),
      ],
      out_specs=pl.BlockSpec(memory_space=pltpu.SMEM),
      out_shape=jax.ShapeDtypeStruct((1, 1), jnp.float32),
  )(parts_sc, parts_tc)
  return out.reshape(())


@jax.jit
def kernel(output, target):
  xview = output.reshape(NUM_BLOCKS, BLK, 2).transpose(0, 2, 1)
  tview = target.reshape(NUM_BLOCKS, BLK)
  parts_sc = _f1_counts_sc(xview, target)
  parts_tc = _f1_counts_tc(xview.reshape(2 * NUM_BLOCKS, BLK), tview)
  return _finalize_tc(parts_sc, parts_tc)

# --- scband reference (transcript-rebuilt; emitter-appended) ---
"""Pipeline reference for scband-f1score-71562745086301 (READ-ONLY COPY).

The authoritative reference and input builder live on the scoring server;
editing this copy changes nothing except your own understanding.
"""

import jax, jax.numpy as jnp
import numpy as np


def setup_inputs(seed: int = 0) -> dict:
    key = jax.random.key(seed)
    k1, k2 = jax.random.split(key)
    N, C = 1048576, 2
    output = jax.random.normal(k1, (N, C), dtype=jnp.float32)
    target = jax.random.randint(k2, (N,), 0, 2, dtype=jnp.int32)
    return {"output": output, "target": target}


def reference(output, target):
    N, C = output.shape
    pred = jnp.argmax(output, axis=1)
    rows = jnp.arange(N)
    # scatter_(1, pred.view(-1,1), 1.0) -> one-hot overwrite into zeros
    pre_mask = jnp.zeros((N, C), dtype=jnp.float32).at[rows, pred].set(1.0)
    tar_mask = jnp.zeros((N, C), dtype=jnp.float32).at[rows, target].set(1.0)
    TP = jnp.sum(pre_mask[:, 1] * tar_mask[:, 1])
    FP = jnp.sum(pre_mask[:, 1] * tar_mask[:, 0])
    FN = jnp.sum(pre_mask[:, 0] * tar_mask[:, 1])
    TN = jnp.sum(pre_mask[:, 0] * tar_mask[:, 0])
    precision = TP / (TP + FP + 1e-10)
    recall = TP / (TP + FN + 1e-10)
    F1 = 2 * precision * recall / (precision + recall + 1e-10)
    return F1

if __name__ == "__main__":
    import jax
    _d = setup_inputs()
    print(jax.jit(kernel)(*tuple(_d.values())))

</pallas_src>

<mosaic_0001>
#map = affine_map<(d0, d1) -> (0, 0, 0)>
#map1 = affine_map<(d0, d1) -> (0)>
#map2 = affine_map<(d0, d1) -> (0, 0)>
module attributes {stable_mosaic.version = 14 : i64} {
  func.func @body(%arg0: i32, %arg1: i32, %arg2: memref<8192x2x128xf32, #tpu.memory_space<hbm>>, %arg3: memref<1048576xi32, #tpu.memory_space<hbm>>, %arg4: memref<32x16xi32, #tpu.memory_space<hbm>>, %arg5: memref<144x2x128xf32, #tpu.memory_space<vmem>>, %arg6: memref<18432xi32, #tpu.memory_space<vmem>>, %arg7: memref<16xi32, #tpu.memory_space<vmem>>, %arg8: memref<!tpu.dma_semaphore, #tpu.memory_space<semaphore_mem>>, %arg9: memref<!tpu.dma_semaphore, #tpu.memory_space<semaphore_mem>>, %arg10: memref<!tpu.dma_semaphore, #tpu.memory_space<semaphore_mem>>, %arg11: memref<!tpu.dma_semaphore, #tpu.memory_space<semaphore_mem>>, %arg12: memref<!tpu.dma_semaphore, #tpu.memory_space<semaphore_mem>>, %arg13: memref<!tpu.dma_semaphore, #tpu.memory_space<semaphore_mem>>, %arg14: memref<!tpu.dma_semaphore, #tpu.memory_space<semaphore_mem>>, %arg15: memref<!tpu.dma_semaphore, #tpu.memory_space<semaphore_mem>>, %arg16: memref<!tpu.dma_semaphore, #tpu.memory_space<semaphore_mem>>, %arg17: memref<!tpu.dma_semaphore, #tpu.memory_space<semaphore_mem>>, %arg18: memref<!tpu.dma_semaphore, #tpu.memory_space<semaphore_mem>>, %arg19: memref<!tpu.dma_semaphore, #tpu.memory_space<semaphore_mem>>) attributes {dimension_semantics = [#tpu.dimension_semantics<core_parallel>, #tpu.dimension_semantics<subcore_parallel>], iteration_bounds = array<i64: 2, 16>, scalar_prefetch = 0 : i64, scratch_operands = 15 : i64, tpu.core_type = #tpu.core_type<sc_vector_subcore>, window_params = [{transform_indices = #map}, {transform_indices = #map1}, {transform_indices = #map2}]} {
    %mul3A = arith.constant 2 : i32
    %mul3A_0 = arith.muli %arg1, %mul3A : i32
    %add3A = arith.addi %mul3A_0, %arg0 : i32
    %mul3A_1 = arith.constant 144 : i32
    %mul3A_2 = arith.muli %add3A, %mul3A_1 : i32
    %mul3A_3 = arith.constant 18432 : i32
    %mul3A_4 = arith.muli %add3A, %mul3A_3 : i32
    %add3A_5 = arith.constant 0 : i32
    %add3A_6 = arith.addi %mul3A_2, %add3A_5 : i32
    %dma_start3A = arith.constant 0 : i32
    %dma_start3A_7 = arith.constant 0 : i32
    %dma_start3A_8 = arith.constant 0 : i32
    %dma_start3A_9 = tpu.memref_slice %arg5[%dma_start3A, %dma_start3A_7, %dma_start3A_8] : memref<144x2x128xf32, #tpu.memory_space<vmem>> -> memref<24x2x128xf32, #tpu.memory_space<vmem>>
    %dma_start3A_10 = arith.constant 0 : i32
    %dma_start3A_11 = arith.constant 0 : i32
    %dma_start3A_12 = tpu.memref_slice %arg2[%add3A_6, %dma_start3A_10, %dma_start3A_11] : memref<8192x2x128xf32, #tpu.memory_space<hbm>> -> memref<24x2x128xf32, #tpu.memory_space<hbm>>
    %dma_start3A_13 = arith.constant 0 : i32
    %dma_start3A_14 = arith.constant 0 : i32
    %dma_start3A_15 = arith.constant 0 : i32
    %dma_start3A_16 = tpu.memref_slice %arg5[%dma_start3A_13, %dma_start3A_14, %dma_start3A_15] : memref<144x2x128xf32, #tpu.memory_space<vmem>> -> memref<24x2x128xf32, #tpu.memory_space<vmem>>
    %dma_start3A_17 = arith.constant 0 : i32
    %dma_start3A_18 = arith.constant 0 : i32
    %dma_start3A_19 = tpu.memref_slice %arg2[%add3A_6, %dma_start3A_17, %dma_start3A_18] : memref<8192x2x128xf32, #tpu.memory_space<hbm>> -> memref<24x2x128xf32, #tpu.memory_space<hbm>>
    tpu.enqueue_dma source(%dma_start3A_19 : memref<24x2x128xf32, #tpu.memory_space<hbm>>) target(%dma_start3A_16 : memref<24x2x128xf32, #tpu.memory_space<vmem>>) target_semaphore(%arg8 : memref<!tpu.dma_semaphore, #tpu.memory_space<semaphore_mem>>)
    %add3A_20 = arith.constant 0 : i32
    %add3A_21 = arith.addi %mul3A_4, %add3A_20 : i32
    %dma_start3A_22 = arith.constant 0 : i32
    %dma_start3A_23 = tpu.memref_slice %arg6[%dma_start3A_22] : memref<18432xi32, #tpu.memory_space<vmem>> -> memref<3072xi32, #tpu.memory_space<vmem>>
    %dma_start3A_24 = tpu.memref_slice %arg3[%add3A_21] : memref<1048576xi32, #tpu.memory_space<hbm>> -> memref<3072xi32, #tpu.memory_space<hbm>>
    %dma_start3A_25 = arith.constant 0 : i32
    %dma_start3A_26 = tpu.memref_slice %arg6[%dma_start3A_25] : memref<18432xi32, #tpu.memory_space<vmem>> -> memref<3072xi32, #tpu.memory_space<vmem>>
    %dma_start3A_27 = tpu.memref_slice %arg3[%add3A_21] : memref<1048576xi32, #tpu.memory_space<hbm>> -> memref<3072xi32, #tpu.memory_space<hbm>>
    tpu.enqueue_dma source(%dma_start3A_27 : memref<3072xi32, #tpu.memory_space<hbm>>) target(%dma_start3A_26 : memref<3072xi32, #tpu.memory_space<vmem>>) target_semaphore(%arg9 : memref<!tpu.dma_semaphore, #tpu.memory_space<semaphore_mem>>)
    %add3A_28 = arith.constant 24 : i32
    %add3A_29 = arith.addi %mul3A_2, %add3A_28 : i32
    %dma_start3A_30 = arith.constant 24 : i32
    %dma_start3A_31 = arith.constant 0 : i32
    %dma_start3A_32 = arith.constant 0 : i32
    %dma_start3A_33 = tpu.memref_slice %arg5[%dma_start3A_30, %dma_start3A_31, %dma_start3A_32] : memref<144x2x128xf32, #tpu.memory_space<vmem>> -> memref<24x2x128xf32, #tpu.memory_space<vmem>>
    %dma_start3A_34 = arith.constant 0 : i32
    %dma_start3A_35 = arith.constant 0 : i32
    %dma_start3A_36 = tpu.memref_slice %arg2[%add3A_29, %dma_start3A_34, %dma_start3A_35] : memref<8192x2x128xf32, #tpu.memory_space<hbm>> -> memref<24x2x128xf32, #tpu.memory_space<hbm>>
    %dma_start3A_37 = arith.constant 24 : i32
    %dma_start3A_38 = arith.constant 0 : i32
    %dma_start3A_39 = arith.constant 0 : i32
    %dma_start3A_40 = tpu.memref_slice %arg5[%dma_start3A_37, %dma_start3A_38, %dma_start3A_39] : memref<144x2x128xf32, #tpu.memory_space<vmem>> -> memref<24x2x128xf32, #tpu.memory_space<vmem>>
    %dma_start3A_41 = arith.constant 0 : i32
    %dma_start3A_42 = arith.constant 0 : i32
    %dma_start3A_43 = tpu.memref_slice %arg2[%add3A_29, %dma_start3A_41, %dma_start3A_42] : memref<8192x2x128xf32, #tpu.memory_space<hbm>> -> memref<24x2x128xf32, #tpu.memory_space<hbm>>
    tpu.enqueue_dma source(%dma_start3A_43 : memref<24x2x128xf32, #tpu.memory_space<hbm>>) target(%dma_start3A_40 : memref<24x2x128xf32, #tpu.memory_space<vmem>>) target_semaphore(%arg10 : memref<!tpu.dma_semaphore, #tpu.memory_space<semaphore_mem>>)
    %add3A_44 = arith.constant 3072 : i32
    %add3A_45 = arith.addi %mul3A_4, %add3A_44 : i32
    %dma_start3A_46 = arith.constant 3072 : i32
    %dma_start3A_47 = tpu.memref_slice %arg6[%dma_start3A_46] : memref<18432xi32, #tpu.memory_space<vmem>> -> memref<3072xi32, #tpu.memory_space<vmem>>
    %dma_start3A_48 = tpu.memref_slice %arg3[%add3A_45] : memref<1048576xi32, #tpu.memory_space<hbm>> -> memref<3072xi32, #tpu.memory_space<hbm>>
    %dma_start3A_49 = arith.constant 3072 : i32
    %dma_start3A_50 = tpu.memref_slice %arg6[%dma_start3A_49] : memref<18432xi32, #tpu.memory_space<vmem>> -> memref<3072xi32, #tpu.memory_space<vmem>>
    %dma_start3A_51 = tpu.memref_slice %arg3[%add3A_45] : memref<1048576xi32, #tpu.memory_space<hbm>> -> memref<3072xi32, #tpu.memory_space<hbm>>
    tpu.enqueue_dma source(%dma_start3A_51 : memref<3072xi32, #tpu.memory_space<hbm>>) target(%dma_start3A_50 : memref<3072xi32, #tpu.memory_space<vmem>>) target_semaphore(%arg11 : memref<!tpu.dma_semaphore, #tpu.memory_space<semaphore_mem>>)
    %add3A_52 = arith.constant 48 : i32
    %add3A_53 = arith.addi %mul3A_2, %add3A_52 : i32
    %dma_start3A_54 = arith.constant 48 : i32
    %dma_start3A_55 = arith.constant 0 : i32
    %dma_start3A_56 = arith.constant 0 : i32
    %dma_start3A_57 = tpu.memref_slice %arg5[%dma_start3A_54, %dma_start3A_55, %dma_start3A_56] : memref<144x2x128xf32, #tpu.memory_space<vmem>> -> memref<24x2x128xf32, #tpu.memory_space<vmem>>
    %dma_start3A_58 = arith.constant 0 : i32
    %dma_start3A_59 = arith.constant 0 : i32
    %dma_start3A_60 = tpu.memref_slice %arg2[%add3A_53, %dma_start3A_58, %dma_start3A_59] : memref<8192x2x128xf32, #tpu.memory_space<hbm>> -> memref<24x2x128xf32, #tpu.memory_space<hbm>>
    %dma_start3A_61 = arith.constant 48 : i32
    %dma_start3A_62 = arith.constant 0 : i32
    %dma_start3A_63 = arith.constant 0 : i32
    %dma_start3A_64 = tpu.memref_slice %arg5[%dma_start3A_61, %dma_start3A_62, %dma_start3A_63] : memref<144x2x128xf32, #tpu.memory_space<vmem>> -> memref<24x2x128xf32, #tpu.memory_space<vmem>>
    %dma_start3A_65 = arith.constant 0 : i32
    %dma_start3A_66 = arith.constant 0 : i32
    %dma_start3A_67 = tpu.memref_slice %arg2[%add3A_53, %dma_start3A_65, %dma_start3A_66] : memref<8192x2x128xf32, #tpu.memory_space<hbm>> -> memref<24x2x128xf32, #tpu.memory_space<hbm>>
    tpu.enqueue_dma source(%dma_start3A_67 : memref<24x2x128xf32, #tpu.memory_space<hbm>>) target(%dma_start3A_64 : memref<24x2x128xf32, #tpu.memory_space<vmem>>) target_semaphore(%arg12 : memref<!tpu.dma_semaphore, #tpu.memory_space<semaphore_mem>>)
    %add3A_68 = arith.constant 6144 : i32
    %add3A_69 = arith.addi %mul3A_4, %add3A_68 : i32
    %dma_start3A_70 = arith.constant 6144 : i32
    %dma_start3A_71 = tpu.memref_slice %arg6[%dma_start3A_70] : memref<18432xi32, #tpu.memory_space<vmem>> -> memref<3072xi32, #tpu.memory_space<vmem>>
    %dma_start3A_72 = tpu.memref_slice %arg3[%add3A_69] : memref<1048576xi32, #tpu.memory_space<hbm>> -> memref<3072xi32, #tpu.memory_space<hbm>>
    %dma_start3A_73 = arith.constant 6144 : i32
    %dma_start3A_74 = tpu.memref_slice %arg6[%dma_start3A_73] : memref<18432xi32, #tpu.memory_space<vmem>> -> memref<3072xi32, #tpu.memory_space<vmem>>
    %dma_start3A_75 = tpu.memref_slice %arg3[%add3A_69] : memref<1048576xi32, #tpu.memory_space<hbm>> -> memref<3072xi32, #tpu.memory_space<hbm>>
    tpu.enqueue_dma source(%dma_start3A_75 : memref<3072xi32, #tpu.memory_space<hbm>>) target(%dma_start3A_74 : memref<3072xi32, #tpu.memory_space<vmem>>) target_semaphore(%arg13 : memref<!tpu.dma_semaphore, #tpu.memory_space<semaphore_mem>>)
    %add3A_76 = arith.constant 72 : i32
    %add3A_77 = arith.addi %mul3A_2, %add3A_76 : i32
    %dma_start3A_78 = arith.constant 72 : i32
    %dma_start3A_79 = arith.constant 0 : i32
    %dma_start3A_80 = arith.constant 0 : i32
    %dma_start3A_81 = tpu.memref_slice %arg5[%dma_start3A_78, %dma_start3A_79, %dma_start3A_80] : memref<144x2x128xf32, #tpu.memory_space<vmem>> -> memref<24x2x128xf32, #tpu.memory_space<vmem>>
    %dma_start3A_82 = arith.constant 0 : i32
    %dma_start3A_83 = arith.constant 0 : i32
    %dma_start3A_84 = tpu.memref_slice %arg2[%add3A_77, %dma_start3A_82, %dma_start3A_83] : memref<8192x2x128xf32, #tpu.memory_space<hbm>> -> memref<24x2x128xf32, #tpu.memory_space<hbm>>
    %dma_start3A_85 = arith.constant 72 : i32
    %dma_start3A_86 = arith.constant 0 : i32
    %dma_start3A_87 = arith.constant 0 : i32
    %dma_start3A_88 = tpu.memref_slice %arg5[%dma_start3A_85, %dma_start3A_86, %dma_start3A_87] : memref<144x2x128xf32, #tpu.memory_space<vmem>> -> memref<24x2x128xf32, #tpu.memory_space<vmem>>
    %dma_start3A_89 = arith.constant 0 : i32
    %dma_start3A_90 = arith.constant 0 : i32
    %dma_start3A_91 = tpu.memref_slice %arg2[%add3A_77, %dma_start3A_89, %dma_start3A_90] : memref<8192x2x128xf32, #tpu.memory_space<hbm>> -> memref<24x2x128xf32, #tpu.memory_space<hbm>>
    tpu.enqueue_dma source(%dma_start3A_91 : memref<24x2x128xf32, #tpu.memory_space<hbm>>) target(%dma_start3A_88 : memref<24x2x128xf32, #tpu.memory_space<vmem>>) target_semaphore(%arg14 : memref<!tpu.dma_semaphore, #tpu.memory_space<semaphore_mem>>)
    %add3A_92 = arith.constant 9216 : i32
    %add3A_93 = arith.addi %mul3A_4, %add3A_92 : i32
    %dma_start3A_94 = arith.constant 9216 : i32
    %dma_start3A_95 = tpu.memref_slice %arg6[%dma_start3A_94] : memref<18432xi32, #tpu.memory_space<vmem>> -> memref<3072xi32, #tpu.memory_space<vmem>>
    %dma_start3A_96 = tpu.memref_slice %arg3[%add3A_93] : memref<1048576xi32, #tpu.memory_space<hbm>> -> memref<3072xi32, #tpu.memory_space<hbm>>
    %dma_start3A_97 = arith.constant 9216 : i32
    %dma_start3A_98 = tpu.memref_slice %arg6[%dma_start3A_97] : memref<18432xi32, #tpu.memory_space<vmem>> -> memref<3072xi32, #tpu.memory_space<vmem>>
    %dma_start3A_99 = tpu.memref_slice %arg3[%add3A_93] : memref<1048576xi32, #tpu.memory_space<hbm>> -> memref<3072xi32, #tpu.memory_space<hbm>>
    tpu.enqueue_dma source(%dma_start3A_99 : memref<3072xi32, #tpu.memory_space<hbm>>) target(%dma_start3A_98 : memref<3072xi32, #tpu.memory_space<vmem>>) target_semaphore(%arg15 : memref<!tpu.dma_semaphore, #tpu.memory_space<semaphore_mem>>)
    %add3A_100 = arith.constant 96 : i32
    %add3A_101 = arith.addi %mul3A_2, %add3A_100 : i32
    %dma_start3A_102 = arith.constant 96 : i32
    %dma_start3A_103 = arith.constant 0 : i32
    %dma_start3A_104 = arith.constant 0 : i32
    %dma_start3A_105 = tpu.memref_slice %arg5[%dma_start3A_102, %dma_start3A_103, %dma_start3A_104] : memref<144x2x128xf32, #tpu.memory_space<vmem>> -> memref<24x2x128xf32, #tpu.memory_space<vmem>>
    %dma_start3A_106 = arith.constant 0 : i32
    %dma_start3A_107 = arith.constant 0 : i32
    %dma_start3A_108 = tpu.memref_slice %arg2[%add3A_101, %dma_start3A_106, %dma_start3A_107] : memref<8192x2x128xf32, #tpu.memory_space<hbm>> -> memref<24x2x128xf32, #tpu.memory_space<hbm>>
    %dma_start3A_109 = arith.constant 96 : i32
    %dma_start3A_110 = arith.constant 0 : i32
    %dma_start3A_111 = arith.constant 0 : i32
    %dma_start3A_112 = tpu.memref_slice %arg5[%dma_start3A_109, %dma_start3A_110, %dma_start3A_111] : memref<144x2x128xf32, #tpu.memory_space<vmem>> -> memref<24x2x128xf32, #tpu.memory_space<vmem>>
    %dma_start3A_113 = arith.constant 0 : i32
    %dma_start3A_114 = arith.constant 0 : i32
    %dma_start3A_115 = tpu.memref_slice %arg2[%add3A_101, %dma_start3A_113, %dma_start3A_114] : memref<8192x2x128xf32, #tpu.memory_space<hbm>> -> memref<24x2x128xf32, #tpu.memory_space<hbm>>
    tpu.enqueue_dma source(%dma_start3A_115 : memref<24x2x128xf32, #tpu.memory_space<hbm>>) target(%dma_start3A_112 : memref<24x2x128xf32, #tpu.memory_space<vmem>>) target_semaphore(%arg16 : memref<!tpu.dma_semaphore, #tpu.memory_space<semaphore_mem>>)
    %add3A_116 = arith.constant 12288 : i32
    %add3A_117 = arith.addi %mul3A_4, %add3A_116 : i32
    %dma_start3A_118 = arith.constant 12288 : i32
    %dma_start3A_119 = tpu.memref_slice %arg6[%dma_start3A_118] : memref<18432xi32, #tpu.memory_space<vmem>> -> memref<3072xi32, #tpu.memory_space<vmem>>
    %dma_start3A_120 = tpu.memref_slice %arg3[%add3A_117] : memref<1048576xi32, #tpu.memory_space<hbm>> -> memref<3072xi32, #tpu.memory_space<hbm>>
    %dma_start3A_121 = arith.constant 12288 : i32
    %dma_start3A_122 = tpu.memref_slice %arg6[%dma_start3A_121] : memref<18432xi32, #tpu.memory_space<vmem>> -> memref<3072xi32, #tpu.memory_space<vmem>>
    %dma_start3A_123 = tpu.memref_slice %arg3[%add3A_117] : memref<1048576xi32, #tpu.memory_space<hbm>> -> memref<3072xi32, #tpu.memory_space<hbm>>
    tpu.enqueue_dma source(%dma_start3A_123 : memref<3072xi32, #tpu.memory_space<hbm>>) target(%dma_start3A_122 : memref<3072xi32, #tpu.memory_space<vmem>>) target_semaphore(%arg17 : memref<!tpu.dma_semaphore, #tpu.memory_space<semaphore_mem>>)
    %add3A_124 = arith.constant 120 : i32
    %add3A_125 = arith.addi %mul3A_2, %add3A_124 : i32
    %dma_start3A_126 = arith.constant 120 : i32
    %dma_start3A_127 = arith.constant 0 : i32
    %dma_start3A_128 = arith.constant 0 : i32
    %dma_start3A_129 = tpu.memref_slice %arg5[%dma_start3A_126, %dma_start3A_127, %dma_start3A_128] : memref<144x2x128xf32, #tpu.memory_space<vmem>> -> memref<24x2x128xf32, #tpu.memory_space<vmem>>
    %dma_start3A_130 = arith.constant 0 : i32
    %dma_start3A_131 = arith.constant 0 : i32
    %dma_start3A_132 = tpu.memref_slice %arg2[%add3A_125, %dma_start3A_130, %dma_start3A_131] : memref<8192x2x128xf32, #tpu.memory_space<hbm>> -> memref<24x2x128xf32, #tpu.memory_space<hbm>>
    %dma_start3A_133 = arith.constant 120 : i32
    %dma_start3A_134 = arith.constant 0 : i32
    %dma_start3A_135 = arith.constant 0 : i32
    %dma_start3A_136 = tpu.memref_slice %arg5[%dma_start3A_133, %dma_start3A_134, %dma_start3A_135] : memref<144x2x128xf32, #tpu.memory_space<vmem>> -> memref<24x2x128xf32, #tpu.memory_space<vmem>>
    %dma_start3A_137 = arith.constant 0 : i32
    %dma_start3A_138 = arith.constant 0 : i32
    %dma_start3A_139 = tpu.memref_slice %arg2[%add3A_125, %dma_start3A_137, %dma_start3A_138] : memref<8192x2x128xf32, #tpu.memory_space<hbm>> -> memref<24x2x128xf32, #tpu.memory_space<hbm>>
    tpu.enqueue_dma source(%dma_start3A_139 : memref<24x2x128xf32, #tpu.memory_space<hbm>>) target(%dma_start3A_136 : memref<24x2x128xf32, #tpu.memory_space<vmem>>) target_semaphore(%arg18 : memref<!tpu.dma_semaphore, #tpu.memory_space<semaphore_mem>>)
    %add3A_140 = arith.constant 15360 : i32
    %add3A_141 = arith.addi %mul3A_4, %add3A_140 : i32
    %dma_start3A_142 = arith.constant 15360 : i32
    %dma_start3A_143 = tpu.memref_slice %arg6[%dma_start3A_142] : memref<18432xi32, #tpu.memory_space<vmem>> -> memref<3072xi32, #tpu.memory_space<vmem>>
    %dma_start3A_144 = tpu.memref_slice %arg3[%add3A_141] : memref<1048576xi32, #tpu.memory_space<hbm>> -> memref<3072xi32, #tpu.memory_space<hbm>>
    %dma_start3A_145 = arith.constant 15360 : i32
    %dma_start3A_146 = tpu.memref_slice %arg6[%dma_start3A_145] : memref<18432xi32, #tpu.memory_space<vmem>> -> memref<3072xi32, #tpu.memory_space<vmem>>
    %dma_start3A_147 = tpu.memref_slice %arg3[%add3A_141] : memref<1048576xi32, #tpu.memory_space<hbm>> -> memref<3072xi32, #tpu.memory_space<hbm>>
    tpu.enqueue_dma source(%dma_start3A_147 : memref<3072xi32, #tpu.memory_space<hbm>>) target(%dma_start3A_146 : memref<3072xi32, #tpu.memory_space<vmem>>) target_semaphore(%arg19 : memref<!tpu.dma_semaphore, #tpu.memory_space<semaphore_mem>>)
    %iota3A = tpu.iota {dimensions = array<i32: 0>} : vector<16xi32>
    %broadcast_in_dim3A = arith.constant 0 : i32
    %broadcast_in_dim3A_148 = vector.broadcast %broadcast_in_dim3A : i32 to vector<16xi32>
    %broadcast_in_dim3A_149 = arith.constant 1 : i32
    %broadcast_in_dim3A_150 = vector.broadcast %broadcast_in_dim3A_149 : i32 to vector<16xi32>
    %dma_wait3A = arith.constant 0 : i32
    %dma_wait3A_151 = arith.constant 0 : i32
    %dma_wait3A_152 = arith.constant 0 : i32
    %dma_wait3A_153 = tpu.memref_slice %arg5[%dma_wait3A, %dma_wait3A_151, %dma_wait3A_152] : memref<144x2x128xf32, #tpu.memory_space<vmem>> -> memref<24x2x128xf32, #tpu.memory_space<vmem>>
    %dma_wait3A_154 = arith.constant 0 : i32
    %dma_wait3A_155 = arith.constant 0 : i32
    %dma_wait3A_156 = tpu.memref_slice %arg2[%add3A_6, %dma_wait3A_154, %dma_wait3A_155] : memref<8192x2x128xf32, #tpu.memory_space<hbm>> -> memref<24x2x128xf32, #tpu.memory_space<hbm>>
    %dma_wait3A_157 = arith.constant 0 : i32
    %dma_wait3A_158 = arith.constant 0 : i32
    %dma_wait3A_159 = arith.constant 0 : i32
    %dma_wait3A_160 = tpu.memref_slice %arg5[%dma_wait3A_157, %dma_wait3A_158, %dma_wait3A_159] : memref<144x2x128xf32, #tpu.memory_space<vmem>> -> memref<24x2x128xf32, #tpu.memory_space<vmem>>
    %dma_wait3A_161 = arith.constant 0 : i32
    %dma_wait3A_162 = arith.constant 0 : i32
    %dma_wait3A_163 = tpu.memref_slice %arg2[%add3A_6, %dma_wait3A_161, %dma_wait3A_162] : memref<8192x2x128xf32, #tpu.memory_space<hbm>> -> memref<24x2x128xf32, #tpu.memory_space<hbm>>
    tpu.wait_dma2 semaphore(%arg8 : memref<!tpu.dma_semaphore, #tpu.memory_space<semaphore_mem>>) src(%dma_wait3A_163 : memref<24x2x128xf32, #tpu.memory_space<hbm>>) dst(%dma_wait3A_160 : memref<24x2x128xf32, #tpu.memory_space<vmem>>)
    %dma_wait3A_164 = arith.constant 0 : i32
    %dma_wait3A_165 = tpu.memref_slice %arg6[%dma_wait3A_164] : memref<18432xi32, #tpu.memory_space<vmem>> -> memref<3072xi32, #tpu.memory_space<vmem>>
    %dma_wait3A_166 = tpu.memref_slice %arg3[%add3A_21] : memref<1048576xi32, #tpu.memory_space<hbm>> -> memref<3072xi32, #tpu.memory_space<hbm>>
    %dma_wait3A_167 = arith.constant 0 : i32
    %dma_wait3A_168 = tpu.memref_slice %arg6[%dma_wait3A_167] : memref<18432xi32, #tpu.memory_space<vmem>> -> memref<3072xi32, #tpu.memory_space<vmem>>
    %dma_wait3A_169 = tpu.memref_slice %arg3[%add3A_21] : memref<1048576xi32, #tpu.memory_space<hbm>> -> memref<3072xi32, #tpu.memory_space<hbm>>
    tpu.wait_dma2 semaphore(%arg9 : memref<!tpu.dma_semaphore, #tpu.memory_space<semaphore_mem>>) src(%dma_wait3A_169 : memref<3072xi32, #tpu.memory_space<hbm>>) dst(%dma_wait3A_168 : memref<3072xi32, #tpu.memory_space<vmem>>)
    %scan3A = arith.constant 0 : i32
    %scan3A_170 = arith.constant 24 : i32
    %scan3A_171 = arith.addi %scan3A, %scan3A_170 : i32
    %scan3A_172 = arith.constant 1 : i32
    %scan3A_173:3 = scf.for %scan3A_331 = %scan3A to %scan3A_171 step %scan3A_172 iter_args(%scan3A_332 = %broadcast_in_dim3A_148, %scan3A_333 = %broadcast_in_dim3A_148, %scan3A_334 = %broadcast_in_dim3A_148) -> (vector<16xi32>, vector<16xi32>, vector<16xi32>)  : i32 {
      %get3A = arith.constant 0 : i32
      %get3A_335 = arith.index_cast %scan3A_331 : i32 to index
      %get3A_336 = arith.index_cast %get3A : i32 to index
      %get3A_337 = arith.constant 0 : index
      %get3A_338 = tpu.vector_load %arg5[%get3A_335, %get3A_336, %get3A_337] {strides = array<i32>} : memref<144x2x128xf32, #tpu.memory_space<vmem>>, vector<16xf32>,
      %get3A_339 = arith.constant 1 : i32
      %get3A_340 = arith.index_cast %scan3A_331 : i32 to index
      %get3A_341 = arith.index_cast %get3A_339 : i32 to index
      %get3A_342 = arith.constant 0 : index
      %get3A_343 = tpu.vector_load %arg5[%get3A_340, %get3A_341, %get3A_342] {strides = array<i32>} : memref<144x2x128xf32, #tpu.memory_space<vmem>>, vector<16xf32>,
      %mul3A_344 = arith.constant 128 : i32
      %mul3A_345 = arith.muli %scan3A_331, %mul3A_344 : i32
      %add3A_346 = arith.constant 0 : i32
      %add3A_347 = arith.addi %mul3A_345, %add3A_346 : i32
      %get3A_348 = arith.index_cast %add3A_347 : i32 to index
      %get3A_349 = tpu.vector_load %arg6[%get3A_348] {strides = array<i32>} : memref<18432xi32, #tpu.memory_space<vmem>>, vector<16xi32>,
      %gt3A = arith.cmpf ogt, %get3A_343, %get3A_338 : vector<16xf32>
      %select_n3A_350 = arith.select %gt3A, %broadcast_in_dim3A_150, %broadcast_in_dim3A_148 : vector<16xi1>, vector<16xi32>
      %add3A_351 = arith.addi %scan3A_333, %select_n3A_350 : vector<16xi32>
      %select_n3A_352 = arith.select %gt3A, %get3A_349, %broadcast_in_dim3A_148 : vector<16xi1>, vector<16xi32>
      %add3A_353 = arith.addi %scan3A_332, %select_n3A_352 : vector<16xi32>
      %add3A_354 = arith.addi %scan3A_334, %get3A_349 : vector<16xi32>
      %get3A_355 = arith.constant 0 : i32
      %get3A_356 = arith.index_cast %scan3A_331 : i32 to index
      %get3A_357 = arith.index_cast %get3A_355 : i32 to index
      %get3A_358 = arith.constant 16 : index
      %get3A_359 = tpu.vector_load %arg5[%get3A_356, %get3A_357, %get3A_358] {strides = array<i32>} : memref<144x2x128xf32, #tpu.memory_space<vmem>>, vector<16xf32>,
      %get3A_360 = arith.constant 1 : i32
      %get3A_361 = arith.index_cast %scan3A_331 : i32 to index
      %get3A_362 = arith.index_cast %get3A_360 : i32 to index
      %get3A_363 = arith.constant 16 : index
      %get3A_364 = tpu.vector_load %arg5[%get3A_361, %get3A_362, %get3A_363] {strides = array<i32>} : memref<144x2x128xf32, #tpu.memory_space<vmem>>, vector<16xf32>,
      %mul3A_365 = arith.constant 128 : i32
      %mul3A_366 = arith.muli %scan3A_331, %mul3A_365 : i32
      %add3A_367 = arith.constant 16 : i32
      %add3A_368 = arith.addi %mul3A_366, %add3A_367 : i32
      %get3A_369 = arith.index_cast %add3A_368 : i32 to index
      %get3A_370 = tpu.vector_load %arg6[%get3A_369] {strides = array<i32>} : memref<18432xi32, #tpu.memory_space<vmem>>, vector<16xi32>,
      %gt3A_371 = arith.cmpf ogt, %get3A_364, %get3A_359 : vector<16xf32>
      %select_n3A_372 = arith.select %gt3A_371, %broadcast_in_dim3A_150, %broadcast_in_dim3A_148 : vector<16xi1>, vector<16xi32>
      %add3A_373 = arith.addi %add3A_351, %select_n3A_372 : vector<16xi32>
      %select_n3A_374 = arith.select %gt3A_371, %get3A_370, %broadcast_in_dim3A_148 : vector<16xi1>, vector<16xi32>
      %add3A_375 = arith.addi %add3A_353, %select_n3A_374 : vector<16xi32>
      %add3A_376 = arith.addi %add3A_354, %get3A_370 : vector<16xi32>
      %get3A_377 = arith.constant 0 : i32
      %get3A_378 = arith.index_cast %scan3A_331 : i32 to index
      %get3A_379 = arith.index_cast %get3A_377 : i32 to index
      %get3A_380 = arith.constant 32 : index
      %get3A_381 = tpu.vector_load %arg5[%get3A_378, %get3A_379, %get3A_380] {strides = array<i32>} : memref<144x2x128xf32, #tpu.memory_space<vmem>>, vector<16xf32>,
      %get3A_382 = arith.constant 1 : i32
      %get3A_383 = arith.index_cast %scan3A_331 : i32 to index
      %get3A_384 = arith.index_cast %get3A_382 : i32 to index
      %get3A_385 = arith.constant 32 : index
      %get3A_386 = tpu.vector_load %arg5[%get3A_383, %get3A_384, %get3A_385] {strides = array<i32>} : memref<144x2x128xf32, #tpu.memory_space<vmem>>, vector<16xf32>,
      %mul3A_387 = arith.constant 128 : i32
      %mul3A_388 = arith.muli %scan3A_331, %mul3A_387 : i32
      %add3A_389 = arith.constant 32 : i32
      %add3A_390 = arith.addi %mul3A_388, %add3A_389 : i32
      %get3A_391 = arith.index_cast %add3A_390 : i32 to index
      %get3A_392 = tpu.vector_load %arg6[%get3A_391] {strides = array<i32>} : memref<18432xi32, #tpu.memory_space<vmem>>, vector<16xi32>,
      %gt3A_393 = arith.cmpf ogt, %get3A_386, %get3A_381 : vector<16xf32>
      %select_n3A_394 = arith.select %gt3A_393, %broadcast_in_dim3A_150, %broadcast_in_dim3A_148 : vector<16xi1>, vector<16xi32>
      %add3A_395 = arith.addi %add3A_373, %select_n3A_394 : vector<16xi32>
      %select_n3A_396 = arith.select %gt3A_393, %get3A_392, %broadcast_in_dim3A_148 : vector<16xi1>, vector<16xi32>
      %add3A_397 = arith.addi %add3A_375, %select_n3A_396 : vector<16xi32>
      %add3A_398 = arith.addi %add3A_376, %get3A_392 : vector<16xi32>
      %get3A_399 = arith.constant 0 : i32
      %get3A_400 = arith.index_cast %scan3A_331 : i32 to index
      %get3A_401 = arith.index_cast %get3A_399 : i32 to index
      %get3A_402 = arith.constant 48 : index
      %get3A_403 = tpu.vector_load %arg5[%get3A_400, %get3A_401, %get3A_402] {strides = array<i32>} : memref<144x2x128xf32, #tpu.memory_space<vmem>>, vector<16xf32>,
      %get3A_404 = arith.constant 1 : i32
      %get3A_405 = arith.index_cast %scan3A_331 : i32 to index
      %get3A_406 = arith.index_cast %get3A_404 : i32 to index
      %get3A_407 = arith.constant 48 : index
      %get3A_408 = tpu.vector_load %arg5[%get3A_405, %get3A_406, %get3A_407] {strides = array<i32>} : memref<144x2x128xf32, #tpu.memory_space<vmem>>, vector<16xf32>,
      %mul3A_409 = arith.constant 128 : i32
      %mul3A_410 = arith.muli %scan3A_331, %mul3A_409 : i32
      %add3A_411 = arith.constant 48 : i32
      %add3A_412 = arith.addi %mul3A_410, %add3A_411 : i32
      %get3A_413 = arith.index_cast %add3A_412 : i32 to index
      %get3A_414 = tpu.vector_load %arg6[%get3A_413] {strides = array<i32>} : memref<18432xi32, #tpu.memory_space<vmem>>, vector<16xi32>,
      %gt3A_415 = arith.cmpf ogt, %get3A_408, %get3A_403 : vector<16xf32>
      %select_n3A_416 = arith.select %gt3A_415, %broadcast_in_dim3A_150, %broadcast_in_dim3A_148 : vector<16xi1>, vector<16xi32>
      %add3A_417 = arith.addi %add3A_395, %select_n3A_416 : vector<16xi32>
      %select_n3A_418 = arith.select %gt3A_415, %get3A_414, %broadcast_in_dim3A_148 : vector<16xi1>, vector<16xi32>
      %add3A_419 = arith.addi %add3A_397, %select_n3A_418 : vector<16xi32>
      %add3A_420 = arith.addi %add3A_398, %get3A_414 : vector<16xi32>
      %get3A_421 = arith.constant 0 : i32
      %get3A_422 = arith.index_cast %scan3A_331 : i32 to index
      %get3A_423 = arith.index_cast %get3A_421 : i32 to index
      %get3A_424 = arith.constant 64 : index
      %get3A_425 = tpu.vector_load %arg5[%get3A_422, %get3A_423, %get3A_424] {strides = array<i32>} : memref<144x2x128xf32, #tpu.memory_space<vmem>>, vector<16xf32>,
      %get3A_426 = arith.constant 1 : i32
      %get3A_427 = arith.index_cast %scan3A_331 : i32 to index
      %get3A_428 = arith.index_cast %get3A_426 : i32 to index
      %get3A_429 = arith.constant 64 : index
      %get3A_430 = tpu.vector_load %arg5[%get3A_427, %get3A_428, %get3A_429] {strides = array<i32>} : memref<144x2x128xf32, #tpu.memory_space<vmem>>, vector<16xf32>,
      %mul3A_431 = arith.constant 128 : i32
      %mul3A_432 = arith.muli %scan3A_331, %mul3A_431 : i32
      %add3A_433 = arith.constant 64 : i32
      %add3A_434 = arith.addi %mul3A_432, %add3A_433 : i32
      %get3A_435 = arith.index_cast %add3A_434 : i32 to index
      %get3A_436 = tpu.vector_load %arg6[%get3A_435] {strides = array<i32>} : memref<18432xi32, #tpu.memory_space<vmem>>, vector<16xi32>,
      %gt3A_437 = arith.cmpf ogt, %get3A_430, %get3A_425 : vector<16xf32>
      %select_n3A_438 = arith.select %gt3A_437, %broadcast_in_dim3A_150, %broadcast_in_dim3A_148 : vector<16xi1>, vector<16xi32>
      %add3A_439 = arith.addi %add3A_417, %select_n3A_438 : vector<16xi32>
      %select_n3A_440 = arith.select %gt3A_437, %get3A_436, %broadcast_in_dim3A_148 : vector<16xi1>, vector<16xi32>
      %add3A_441 = arith.addi %add3A_419, %select_n3A_440 : vector<16xi32>
      %add3A_442 = arith.addi %add3A_420, %get3A_436 : vector<16xi32>
      %get3A_443 = arith.constant 0 : i32
      %get3A_444 = arith.index_cast %scan3A_331 : i32 to index
      %get3A_445 = arith.index_cast %get3A_443 : i32 to index
      %get3A_446 = arith.constant 80 : index
      %get3A_447 = tpu.vector_load %arg5[%get3A_444, %get3A_445, %get3A_446] {strides = array<i32>} : memref<144x2x128xf32, #tpu.memory_space<vmem>>, vector<16xf32>,
      %get3A_448 = arith.constant 1 : i32
      %get3A_449 = arith.index_cast %scan3A_331 : i32 to index
      %get3A_450 = arith.index_cast %get3A_448 : i32 to index
      %get3A_451 = arith.constant 80 : index
      %get3A_452 = tpu.vector_load %arg5[%get3A_449, %get3A_450, %get3A_451] {strides = array<i32>} : memref<144x2x128xf32, #tpu.memory_space<vmem>>, vector<16xf32>,
      %mul3A_453 = arith.constant 128 : i32
      %mul3A_454 = arith.muli %scan3A_331, %mul3A_453 : i32
      %add3A_455 = arith.constant 80 : i32
      %add3A_456 = arith.addi %mul3A_454, %add3A_455 : i32
      %get3A_457 = arith.index_cast %add3A_456 : i32 to index
      %get3A_458 = tpu.vector_load %arg6[%get3A_457] {strides = array<i32>} : memref<18432xi32, #tpu.memory_space<vmem>>, vector<16xi32>,
      %gt3A_459 = arith.cmpf ogt, %get3A_452, %get3A_447 : vector<16xf32>
      %select_n3A_460 = arith.select %gt3A_459, %broadcast_in_dim3A_150, %broadcast_in_dim3A_148 : vector<16xi1>, vector<16xi32>
      %add3A_461 = arith.addi %add3A_439, %select_n3A_460 : vector<16xi32>
      %select_n3A_462 = arith.select %gt3A_459, %get3A_458, %broadcast_in_dim3A_148 : vector<16xi1>, vector<16xi32>
      %add3A_463 = arith.addi %add3A_441, %select_n3A_462 : vector<16xi32>
      %add3A_464 = arith.addi %add3A_442, %get3A_458 : vector<16xi32>
      %get3A_465 = arith.constant 0 : i32
      %get3A_466 = arith.index_cast %scan3A_331 : i32 to index
      %get3A_467 = arith.index_cast %get3A_465 : i32 to index
      %get3A_468 = arith.constant 96 : index
      %get3A_469 = tpu.vector_load %arg5[%get3A_466, %get3A_467, %get3A_468] {strides = array<i32>} : memref<144x2x128xf32, #tpu.memory_space<vmem>>, vector<16xf32>,
      %get3A_470 = arith.constant 1 : i32
      %get3A_471 = arith.index_cast %scan3A_331 : i32 to index
      %get3A_472 = arith.index_cast %get3A_470 : i32 to index
      %get3A_473 = arith.constant 96 : index
      %get3A_474 = tpu.vector_load %arg5[%get3A_471, %get3A_472, %get3A_473] {strides = array<i32>} : memref<144x2x128xf32, #tpu.memory_space<vmem>>, vector<16xf32>,
      %mul3A_475 = arith.constant 128 : i32
      %mul3A_476 = arith.muli %scan3A_331, %mul3A_475 : i32
      %add3A_477 = arith.constant 96 : i32
      %add3A_478 = arith.addi %mul3A_476, %add3A_477 : i32
      %get3A_479 = arith.index_cast %add3A_478 : i32 to index
      %get3A_480 = tpu.vector_load %arg6[%get3A_479] {strides = array<i32>} : memref<18432xi32, #tpu.memory_space<vmem>>, vector<16xi32>,
      %gt3A_481 = arith.cmpf ogt, %get3A_474, %get3A_469 : vector<16xf32>
      %select_n3A_482 = arith.select %gt3A_481, %broadcast_in_dim3A_150, %broadcast_in_dim3A_148 : vector<16xi1>, vector<16xi32>
      %add3A_483 = arith.addi %add3A_461, %select_n3A_482 : vector<16xi32>
      %select_n3A_484 = arith.select %gt3A_481, %get3A_480, %broadcast_in_dim3A_148 : vector<16xi1>, vector<16xi32>
      %add3A_485 = arith.addi %add3A_463, %select_n3A_484 : vector<16xi32>
      %add3A_486 = arith.addi %add3A_464, %get3A_480 : vector<16xi32>
      %get3A_487 = arith.constant 0 : i32
      %get3A_488 = arith.index_cast %scan3A_331 : i32 to index
      %get3A_489 = arith.index_cast %get3A_487 : i32 to index
      %get3A_490 = arith.constant 112 : index
      %get3A_491 = tpu.vector_load %arg5[%get3A_488, %get3A_489, %get3A_490] {strides = array<i32>} : memref<144x2x128xf32, #tpu.memory_space<vmem>>, vector<16xf32>,
      %get3A_492 = arith.constant 1 : i32
      %get3A_493 = arith.index_cast %scan3A_331 : i32 to index
      %get3A_494 = arith.index_cast %get3A_492 : i32 to index
      %get3A_495 = arith.constant 112 : index
      %get3A_496 = tpu.vector_load %arg5[%get3A_493, %get3A_494, %get3A_495] {strides = array<i32>} : memref<144x2x128xf32, #tpu.memory_space<vmem>>, vector<16xf32>,
      %mul3A_497 = arith.constant 128 : i32
      %mul3A_498 = arith.muli %scan3A_331, %mul3A_497 : i32
      %add3A_499 = arith.constant 112 : i32
      %add3A_500 = arith.addi %mul3A_498, %add3A_499 : i32
      %get3A_501 = arith.index_cast %add3A_500 : i32 to index
      %get3A_502 = tpu.vector_load %arg6[%get3A_501] {strides = array<i32>} : memref<18432xi32, #tpu.memory_space<vmem>>, vector<16xi32>,
      %gt3A_503 = arith.cmpf ogt, %get3A_496, %get3A_491 : vector<16xf32>
      %select_n3A_504 = arith.select %gt3A_503, %broadcast_in_dim3A_150, %broadcast_in_dim3A_148 : vector<16xi1>, vector<16xi32>
      %add3A_505 = arith.addi %add3A_483, %select_n3A_504 : vector<16xi32>
      %select_n3A_506 = arith.select %gt3A_503, %get3A_502, %broadcast_in_dim3A_148 : vector<16xi1>, vector<16xi32>
      %add3A_507 = arith.addi %add3A_485, %select_n3A_506 : vector<16xi32>
      %add3A_508 = arith.addi %add3A_486, %get3A_502 : vector<16xi32>
      scf.yield %add3A_507, %add3A_505, %add3A_508 : vector<16xi32>, vector<16xi32>, vector<16xi32>
    }
    %scan3A_174 = arith.constant 24 : i32
    %dma_wait3A_175 = arith.constant 24 : i32
    %dma_wait3A_176 = arith.constant 0 : i32
    %dma_wait3A_177 = arith.constant 0 : i32
    %dma_wait3A_178 = tpu.memref_slice %arg5[%dma_wait3A_175, %dma_wait3A_176, %dma_wait3A_177] : memref<144x2x128xf32, #tpu.memory_space<vmem>> -> memref<24x2x128xf32, #tpu.memory_space<vmem>>
    %dma_wait3A_179 = arith.constant 0 : i32
    %dma_wait3A_180 = arith.constant 0 : i32
    %dma_wait3A_181 = tpu.memref_slice %arg2[%add3A_29, %dma_wait3A_179, %dma_wait3A_180] : memref<8192x2x128xf32, #tpu.memory_space<hbm>> -> memref<24x2x128xf32, #tpu.memory_space<hbm>>
    %dma_wait3A_182 = arith.constant 24 : i32
    %dma_wait3A_183 = arith.constant 0 : i32
    %dma_wait3A_184 = arith.constant 0 : i32
    %dma_wait3A_185 = tpu.memref_slice %arg5[%dma_wait3A_182, %dma_wait3A_183, %dma_wait3A_184] : memref<144x2x128xf32, #tpu.memory_space<vmem>> -> memref<24x2x128xf32, #tpu.memory_space<vmem>>
    %dma_wait3A_186 = arith.constant 0 : i32
    %dma_wait3A_187 = arith.constant 0 : i32
    %dma_wait3A_188 = tpu.memref_slice %arg2[%add3A_29, %dma_wait3A_186, %dma_wait3A_187] : memref<8192x2x128xf32, #tpu.memory_space<hbm>> -> memref<24x2x128xf32, #tpu.memory_space<hbm>>
    tpu.wait_dma2 semaphore(%arg10 : memref<!tpu.dma_semaphore, #tpu.memory_space<semaphore_mem>>) src(%dma_wait3A_188 : memref<24x2x128xf32, #tpu.memory_space<hbm>>) dst(%dma_wait3A_185 : memref<24x2x128xf32, #tpu.memory_space<vmem>>)
    %dma_wait3A_189 = arith.constant 3072 : i32
    %dma_wait3A_190 = tpu.memref_slice %arg6[%dma_wait3A_189] : memref<18432xi32, #tpu.memory_space<vmem>> -> memref<3072xi32, #tpu.memory_space<vmem>>
    %dma_wait3A_191 = tpu.memref_slice %arg3[%add3A_45] : memref<1048576xi32, #tpu.memory_space<hbm>> -> memref<3072xi32, #tpu.memory_space<hbm>>
    %dma_wait3A_192 = arith.constant 3072 : i32
    %dma_wait3A_193 = tpu.memref_slice %arg6[%dma_wait3A_192] : memref<18432xi32, #tpu.memory_space<vmem>> -> memref<3072xi32, #tpu.memory_space<vmem>>
    %dma_wait3A_194 = tpu.memref_slice %arg3[%add3A_45] : memref<1048576xi32, #tpu.memory_space<hbm>> -> memref<3072xi32, #tpu.memory_space<hbm>>
    tpu.wait_dma2 semaphore(%arg11 : memref<!tpu.dma_semaphore, #tpu.memory_space<semaphore_mem>>) src(%dma_wait3A_194 : memref<3072xi32, #tpu.memory_space<hbm>>) dst(%dma_wait3A_193 : memref<3072xi32, #tpu.memory_space<vmem>>)
    %scan3A_195 = arith.constant 24 : i32
    %scan3A_196 = arith.constant 24 : i32
    %scan3A_197 = arith.addi %scan3A_195, %scan3A_196 : i32
    %scan3A_198 = arith.constant 1 : i32
    %scan3A_199:3 = scf.for %scan3A_331 = %scan3A_195 to %scan3A_197 step %scan3A_198 iter_args(%scan3A_332 = %scan3A_173#0, %scan3A_333 = %scan3A_173#1, %scan3A_334 = %scan3A_173#2) -> (vector<16xi32>, vector<16xi32>, vector<16xi32>)  : i32 {
      %get3A = arith.constant 0 : i32
      %get3A_335 = arith.index_cast %scan3A_331 : i32 to index
      %get3A_336 = arith.index_cast %get3A : i32 to index
      %get3A_337 = arith.constant 0 : index
      %get3A_338 = tpu.vector_load %arg5[%get3A_335, %get3A_336, %get3A_337] {strides = array<i32>} : memref<144x2x128xf32, #tpu.memory_space<vmem>>, vector<16xf32>,
      %get3A_339 = arith.constant 1 : i32
      %get3A_340 = arith.index_cast %scan3A_331 : i32 to index
      %get3A_341 = arith.index_cast %get3A_339 : i32 to index
      %get3A_342 = arith.constant 0 : index
      %get3A_343 = tpu.vector_load %arg5[%get3A_340, %get3A_341, %get3A_342] {strides = array<i32>} : memref<144x2x128xf32, #tpu.memory_space<vmem>>, vector<16xf32>,
      %mul3A_344 = arith.constant 128 : i32
      %mul3A_345 = arith.muli %scan3A_331, %mul3A_344 : i32
      %add3A_346 = arith.constant 0 : i32
      %add3A_347 = arith.addi %mul3A_345, %add3A_346 : i32
      %get3A_348 = arith.index_cast %add3A_347 : i32 to index
      %get3A_349 = tpu.vector_load %arg6[%get3A_348] {strides = array<i32>} : memref<18432xi32, #tpu.memory_space<vmem>>, vector<16xi32>,
      %gt3A = arith.cmpf ogt, %get3A_343, %get3A_338 : vector<16xf32>
      %select_n3A_350 = arith.select %gt3A, %broadcast_in_dim3A_150, %broadcast_in_dim3A_148 : vector<16xi1>, vector<16xi32>
      %add3A_351 = arith.addi %scan3A_333, %select_n3A_350 : vector<16xi32>
      %select_n3A_352 = arith.select %gt3A, %get3A_349, %broadcast_in_dim3A_148 : vector<16xi1>, vector<16xi32>
      %add3A_353 = arith.addi %scan3A_332, %select_n3A_352 : vector<16xi32>
      %add3A_354 = arith.addi %scan3A_334, %get3A_349 : vector<16xi32>
      %get3A_355 = arith.constant 0 : i32
      %get3A_356 = arith.index_cast %scan3A_331 : i32 to index
      %get3A_357 = arith.index_cast %get3A_355 : i32 to index
      %get3A_358 = arith.constant 16 : index
      %get3A_359 = tpu.vector_load %arg5[%get3A_356, %get3A_357, %get3A_358] {strides = array<i32>} : memref<144x2x128xf32, #tpu.memory_space<vmem>>, vector<16xf32>,
      %get3A_360 = arith.constant 1 : i32
      %get3A_361 = arith.index_cast %scan3A_331 : i32 to index
      %get3A_362 = arith.index_cast %get3A_360 : i32 to index
      %get3A_363 = arith.constant 16 : index
      %get3A_364 = tpu.vector_load %arg5[%get3A_361, %get3A_362, %get3A_363] {strides = array<i32>} : memref<144x2x128xf32, #tpu.memory_space<vmem>>, vector<16xf32>,
      %mul3A_365 = arith.constant 128 : i32
      %mul3A_366 = arith.muli %scan3A_331, %mul3A_365 : i32
      %add3A_367 = arith.constant 16 : i32
      %add3A_368 = arith.addi %mul3A_366, %add3A_367 : i32
      %get3A_369 = arith.index_cast %add3A_368 : i32 to index
      %get3A_370 = tpu.vector_load %arg6[%get3A_369] {strides = array<i32>} : memref<18432xi32, #tpu.memory_space<vmem>>, vector<16xi32>,
      %gt3A_371 = arith.cmpf ogt, %get3A_364, %get3A_359 : vector<16xf32>
      %select_n3A_372 = arith.select %gt3A_371, %broadcast_in_dim3A_150, %broadcast_in_dim3A_148 : vector<16xi1>, vector<16xi32>
      %add3A_373 = arith.addi %add3A_351, %select_n3A_372 : vector<16xi32>
      %select_n3A_374 = arith.select %gt3A_371, %get3A_370, %broadcast_in_dim3A_148 : vector<16xi1>, vector<16xi32>
      %add3A_375 = arith.addi %add3A_353, %select_n3A_374 : vector<16xi32>
      %add3A_376 = arith.addi %add3A_354, %get3A_370 : vector<16xi32>
      %get3A_377 = arith.constant 0 : i32
      %get3A_378 = arith.index_cast %scan3A_331 : i32 to index
      %get3A_379 = arith.index_cast %get3A_377 : i32 to index
      %get3A_380 = arith.constant 32 : index
      %get3A_381 = tpu.vector_load %arg5[%get3A_378, %get3A_379, %get3A_380] {strides = array<i32>} : memref<144x2x128xf32, #tpu.memory_space<vmem>>, vector<16xf32>,
      %get3A_382 = arith.constant 1 : i32
      %get3A_383 = arith.index_cast %scan3A_331 : i32 to index
      %get3A_384 = arith.index_cast %get3A_382 : i32 to index
      %get3A_385 = arith.constant 32 : index
      %get3A_386 = tpu.vector_load %arg5[%get3A_383, %get3A_384, %get3A_385] {strides = array<i32>} : memref<144x2x128xf32, #tpu.memory_space<vmem>>, vector<16xf32>,
      %mul3A_387 = arith.constant 128 : i32
      %mul3A_388 = arith.muli %scan3A_331, %mul3A_387 : i32
      %add3A_389 = arith.constant 32 : i32
      %add3A_390 = arith.addi %mul3A_388, %add3A_389 : i32
      %get3A_391 = arith.index_cast %add3A_390 : i32 to index
      %get3A_392 = tpu.vector_load %arg6[%get3A_391] {strides = array<i32>} : memref<18432xi32, #tpu.memory_space<vmem>>, vector<16xi32>,
      %gt3A_393 = arith.cmpf ogt, %get3A_386, %get3A_381 : vector<16xf32>
      %select_n3A_394 = arith.select %gt3A_393, %broadcast_in_dim3A_150, %broadcast_in_dim3A_148 : vector<16xi1>, vector<16xi32>
      %add3A_395 = arith.addi %add3A_373, %select_n3A_394 : vector<16xi32>
      %select_n3A_396 = arith.select %gt3A_393, %get3A_392, %broadcast_in_dim3A_148 : vector<16xi1>, vector<16xi32>
      %add3A_397 = arith.addi %add3A_375, %select_n3A_396 : vector<16xi32>
      %add3A_398 = arith.addi %add3A_376, %get3A_392 : vector<16xi32>
      %get3A_399 = arith.constant 0 : i32
      %get3A_400 = arith.index_cast %scan3A_331 : i32 to index
      %get3A_401 = arith.index_cast %get3A_399 : i32 to index
      %get3A_402 = arith.constant 48 : index
      %get3A_403 = tpu.vector_load %arg5[%get3A_400, %get3A_401, %get3A_402] {strides = array<i32>} : memref<144x2x128xf32, #tpu.memory_space<vmem>>, vector<16xf32>,
      %get3A_404 = arith.constant 1 : i32
      %get3A_405 = arith.index_cast %scan3A_331 : i32 to index
      %get3A_406 = arith.index_cast %get3A_404 : i32 to index
      %get3A_407 = arith.constant 48 : index
      %get3A_408 = tpu.vector_load %arg5[%get3A_405, %get3A_406, %get3A_407] {strides = array<i32>} : memref<144x2x128xf32, #tpu.memory_space<vmem>>, vector<16xf32>,
      %mul3A_409 = arith.constant 128 : i32
      %mul3A_410 = arith.muli %scan3A_331, %mul3A_409 : i32
      %add3A_411 = arith.constant 48 : i32
      %add3A_412 = arith.addi %mul3A_410, %add3A_411 : i32
      %get3A_413 = arith.index_cast %add3A_412 : i32 to index
      %get3A_414 = tpu.vector_load %arg6[%get3A_413] {strides = array<i32>} : memref<18432xi32, #tpu.memory_space<vmem>>, vector<16xi32>,
      %gt3A_415 = arith.cmpf ogt, %get3A_408, %get3A_403 : vector<16xf32>
      %select_n3A_416 = arith.select %gt3A_415, %broadcast_in_dim3A_150, %broadcast_in_dim3A_148 : vector<16xi1>, vector<16xi32>
      %add3A_417 = arith.addi %add3A_395, %select_n3A_416 : vector<16xi32>
      %select_n3A_418 = arith.select %gt3A_415, %get3A_414, %broadcast_in_dim3A_148 : vector<16xi1>, vector<16xi32>
      %add3A_419 = arith.addi %add3A_397, %select_n3A_418 : vector<16xi32>
      %add3A_420 = arith.addi %add3A_398, %get3A_414 : vector<16xi32>
      %get3A_421 = arith.constant 0 : i32
      %get3A_422 = arith.index_cast %scan3A_331 : i32 to index
      %get3A_423 = arith.index_cast %get3A_421 : i32 to index
      %get3A_424 = arith.constant 64 : index
      %get3A_425 = tpu.vector_load %arg5[%get3A_422, %get3A_423, %get3A_424] {strides = array<i32>} : memref<144x2x128xf32, #tpu.memory_space<vmem>>, vector<16xf32>,
      %get3A_426 = arith.constant 1 : i32
      %get3A_427 = arith.index_cast %scan3A_331 : i32 to index
      %get3A_428 = arith.index_cast %get3A_426 : i32 to index
      %get3A_429 = arith.constant 64 : index
      %get3A_430 = tpu.vector_load %arg5[%get3A_427, %get3A_428, %get3A_429] {strides = array<i32>} : memref<144x2x128xf32, #tpu.memory_space<vmem>>, vector<16xf32>,
      %mul3A_431 = arith.constant 128 : i32
      %mul3A_432 = arith.muli %scan3A_331, %mul3A_431 : i32
      %add3A_433 = arith.constant 64 : i32
      %add3A_434 = arith.addi %mul3A_432, %add3A_433 : i32
      %get3A_435 = arith.index_cast %add3A_434 : i32 to index
      %get3A_436 = tpu.vector_load %arg6[%get3A_435] {strides = array<i32>} : memref<18432xi32, #tpu.memory_space<vmem>>, vector<16xi32>,
      %gt3A_437 = arith.cmpf ogt, %get3A_430, %get3A_425 : vector<16xf32>
      %select_n3A_438 = arith.select %gt3A_437, %broadcast_in_dim3A_150, %broadcast_in_dim3A_148 : vector<16xi1>, vector<16xi32>
      %add3A_439 = arith.addi %add3A_417, %select_n3A_438 : vector<16xi32>
      %select_n3A_440 = arith.select %gt3A_437, %get3A_436, %broadcast_in_dim3A_148 : vector<16xi1>, vector<16xi32>
      %add3A_441 = arith.addi %add3A_419, %select_n3A_440 : vector<16xi32>
      %add3A_442 = arith.addi %add3A_420, %get3A_436 : vector<16xi32>
      %get3A_443 = arith.constant 0 : i32
      %get3A_444 = arith.index_cast %scan3A_331 : i32 to index
      %get3A_445 = arith.index_cast %get3A_443 : i32 to index
      %get3A_446 = arith.constant 80 : index
      %get3A_447 = tpu.vector_load %arg5[%get3A_444, %get3A_445, %get3A_446] {strides = array<i32>} : memref<144x2x128xf32, #tpu.memory_space<vmem>>, vector<16xf32>,
      %get3A_448 = arith.constant 1 : i32
      %get3A_449 = arith.index_cast %scan3A_331 : i32 to index
      %get3A_450 = arith.index_cast %get3A_448 : i32 to index
      %get3A_451 = arith.constant 80 : index
      %get3A_452 = tpu.vector_load %arg5[%get3A_449, %get3A_450, %get3A_451] {strides = array<i32>} : memref<144x2x128xf32, #tpu.memory_space<vmem>>, vector<16xf32>,
      %mul3A_453 = arith.constant 128 : i32
      %mul3A_454 = arith.muli %scan3A_331, %mul3A_453 : i32
      %add3A_455 = arith.constant 80 : i32
      %add3A_456 = arith.addi %mul3A_454, %add3A_455 : i32
      %get3A_457 = arith.index_cast %add3A_456 : i32 to index
      %get3A_458 = tpu.vector_load %arg6[%get3A_457] {strides = array<i32>} : memref<18432xi32, #tpu.memory_space<vmem>>, vector<16xi32>,
      %gt3A_459 = arith.cmpf ogt, %get3A_452, %get3A_447 : vector<16xf32>
      %select_n3A_460 = arith.select %gt3A_459, %broadcast_in_dim3A_150, %broadcast_in_dim3A_148 : vector<16xi1>, vector<16xi32>
      %add3A_461 = arith.addi %add3A_439, %select_n3A_460 : vector<16xi32>
      %select_n3A_462 = arith.select %gt3A_459, %get3A_458, %broadcast_in_dim3A_148 : vector<16xi1>, vector<16xi32>
      %add3A_463 = arith.addi %add3A_441, %select_n3A_462 : vector<16xi32>
      %add3A_464 = arith.addi %add3A_442, %get3A_458 : vector<16xi32>
      %get3A_465 = arith.constant 0 : i32
      %get3A_466 = arith.index_cast %scan3A_331 : i32 to index
      %get3A_467 = arith.index_cast %get3A_465 : i32 to index
      %get3A_468 = arith.constant 96 : index
      %get3A_469 = tpu.vector_load %arg5[%get3A_466, %get3A_467, %get3A_468] {strides = array<i32>} : memref<144x2x128xf32, #tpu.memory_space<vmem>>, vector<16xf32>,
      %get3A_470 = arith.constant 1 : i32
      %get3A_471 = arith.index_cast %scan3A_331 : i32 to index
      %get3A_472 = arith.index_cast %get3A_470 : i32 to index
      %get3A_473 = arith.constant 96 : index
      %get3A_474 = tpu.vector_load %arg5[%get3A_471, %get3A_472, %get3A_473] {strides = array<i32>} : memref<144x2x128xf32, #tpu.memory_space<vmem>>, vector<16xf32>,
      %mul3A_475 = arith.constant 128 : i32
      %mul3A_476 = arith.muli %scan3A_331, %mul3A_475 : i32
      %add3A_477 = arith.constant 96 : i32
      %add3A_478 = arith.addi %mul3A_476, %add3A_477 : i32
      %get3A_479 = arith.index_cast %add3A_478 : i32 to index
      %get3A_480 = tpu.vector_load %arg6[%get3A_479] {strides = array<i32>} : memref<18432xi32, #tpu.memory_space<vmem>>, vector<16xi32>,
      %gt3A_481 = arith.cmpf ogt, %get3A_474, %get3A_469 : vector<16xf32>
      %select_n3A_482 = arith.select %gt3A_481, %broadcast_in_dim3A_150, %broadcast_in_dim3A_148 : vector<16xi1>, vector<16xi32>
      %add3A_483 = arith.addi %add3A_461, %select_n3A_482 : vector<16xi32>
      %select_n3A_484 = arith.select %gt3A_481, %get3A_480, %broadcast_in_dim3A_148 : vector<16xi1>, vector<16xi32>
      %add3A_485 = arith.addi %add3A_463, %select_n3A_484 : vector<16xi32>
      %add3A_486 = arith.addi %add3A_464, %get3A_480 : vector<16xi32>
      %get3A_487 = arith.constant 0 : i32
      %get3A_488 = arith.index_cast %scan3A_331 : i32 to index
      %get3A_489 = arith.index_cast %get3A_487 : i32 to index
      %get3A_490 = arith.constant 112 : index
      %get3A_491 = tpu.vector_load %arg5[%get3A_488, %get3A_489, %get3A_490] {strides = array<i32>} : memref<144x2x128xf32, #tpu.memory_space<vmem>>, vector<16xf32>,
      %get3A_492 = arith.constant 1 : i32
      %get3A_493 = arith.index_cast %scan3A_331 : i32 to index
      %get3A_494 = arith.index_cast %get3A_492 : i32 to index
      %get3A_495 = arith.constant 112 : index
      %get3A_496 = tpu.vector_load %arg5[%get3A_493, %get3A_494, %get3A_495] {strides = array<i32>} : memref<144x2x128xf32, #tpu.memory_space<vmem>>, vector<16xf32>,
      %mul3A_497 = arith.constant 128 : i32
      %mul3A_498 = arith.muli %scan3A_331, %mul3A_497 : i32
      %add3A_499 = arith.constant 112 : i32
      %add3A_500 = arith.addi %mul3A_498, %add3A_499 : i32
      %get3A_501 = arith.index_cast %add3A_500 : i32 to index
      %get3A_502 = tpu.vector_load %arg6[%get3A_501] {strides = array<i32>} : memref<18432xi32, #tpu.memory_space<vmem>>, vector<16xi32>,
      %gt3A_503 = arith.cmpf ogt, %get3A_496, %get3A_491 : vector<16xf32>
      %select_n3A_504 = arith.select %gt3A_503, %broadcast_in_dim3A_150, %broadcast_in_dim3A_148 : vector<16xi1>, vector<16xi32>
      %add3A_505 = arith.addi %add3A_483, %select_n3A_504 : vector<16xi32>
      %select_n3A_506 = arith.select %gt3A_503, %get3A_502, %broadcast_in_dim3A_148 : vector<16xi1>, vector<16xi32>
      %add3A_507 = arith.addi %add3A_485, %select_n3A_506 : vector<16xi32>
      %add3A_508 = arith.addi %add3A_486, %get3A_502 : vector<16xi32>
      scf.yield %add3A_507, %add3A_505, %add3A_508 : vector<16xi32>, vector<16xi32>, vector<16xi32>
    }
    %scan3A_200 = arith.constant 24 : i32
    %dma_wait3A_201 = arith.constant 48 : i32
    %dma_wait3A_202 = arith.constant 0 : i32
    %dma_wait3A_203 = arith.constant 0 : i32
    %dma_wait3A_204 = tpu.memref_slice %arg5[%dma_wait3A_201, %dma_wait3A_202, %dma_wait3A_203] : memref<144x2x128xf32, #tpu.memory_space<vmem>> -> memref<24x2x128xf32, #tpu.memory_space<vmem>>
    %dma_wait3A_205 = arith.constant 0 : i32
    %dma_wait3A_206 = arith.constant 0 : i32
    %dma_wait3A_207 = tpu.memref_slice %arg2[%add3A_53, %dma_wait3A_205, %dma_wait3A_206] : memref<8192x2x128xf32, #tpu.memory_space<hbm>> -> memref<24x2x128xf32, #tpu.memory_space<hbm>>
    %dma_wait3A_208 = arith.constant 48 : i32
    %dma_wait3A_209 = arith.constant 0 : i32
    %dma_wait3A_210 = arith.constant 0 : i32
    %dma_wait3A_211 = tpu.memref_slice %arg5[%dma_wait3A_208, %dma_wait3A_209, %dma_wait3A_210] : memref<144x2x128xf32, #tpu.memory_space<vmem>> -> memref<24x2x128xf32, #tpu.memory_space<vmem>>
    %dma_wait3A_212 = arith.constant 0 : i32
    %dma_wait3A_213 = arith.constant 0 : i32
    %dma_wait3A_214 = tpu.memref_slice %arg2[%add3A_53, %dma_wait3A_212, %dma_wait3A_213] : memref<8192x2x128xf32, #tpu.memory_space<hbm>> -> memref<24x2x128xf32, #tpu.memory_space<hbm>>
    tpu.wait_dma2 semaphore(%arg12 : memref<!tpu.dma_semaphore, #tpu.memory_space<semaphore_mem>>) src(%dma_wait3A_214 : memref<24x2x128xf32, #tpu.memory_space<hbm>>) dst(%dma_wait3A_211 : memref<24x2x128xf32, #tpu.memory_space<vmem>>)
    %dma_wait3A_215 = arith.constant 6144 : i32
    %dma_wait3A_216 = tpu.memref_slice %arg6[%dma_wait3A_215] : memref<18432xi32, #tpu.memory_space<vmem>> -> memref<3072xi32, #tpu.memory_space<vmem>>
    %dma_wait3A_217 = tpu.memref_slice %arg3[%add3A_69] : memref<1048576xi32, #tpu.memory_space<hbm>> -> memref<3072xi32, #tpu.memory_space<hbm>>
    %dma_wait3A_218 = arith.constant 6144 : i32
    %dma_wait3A_219 = tpu.memref_slice %arg6[%dma_wait3A_218] : memref<18432xi32, #tpu.memory_space<vmem>> -> memref<3072xi32, #tpu.memory_space<vmem>>
    %dma_wait3A_220 = tpu.memref_slice %arg3[%add3A_69] : memref<1048576xi32, #tpu.memory_space<hbm>> -> memref<3072xi32, #tpu.memory_space<hbm>>
    tpu.wait_dma2 semaphore(%arg13 : memref<!tpu.dma_semaphore, #tpu.memory_space<semaphore_mem>>) src(%dma_wait3A_220 : memref<3072xi32, #tpu.memory_space<hbm>>) dst(%dma_wait3A_219 : memref<3072xi32, #tpu.memory_space<vmem>>)
    %scan3A_221 = arith.constant 48 : i32
    %scan3A_222 = arith.constant 24 : i32
    %scan3A_223 = arith.addi %scan3A_221, %scan3A_222 : i32
    %scan3A_224 = arith.constant 1 : i32
    %scan3A_225:3 = scf.for %scan3A_331 = %scan3A_221 to %scan3A_223 step %scan3A_224 iter_args(%scan3A_332 = %scan3A_199#0, %scan3A_333 = %scan3A_199#1, %scan3A_334 = %scan3A_199#2) -> (vector<16xi32>, vector<16xi32>, vector<16xi32>)  : i32 {
      %get3A = arith.constant 0 : i32
      %get3A_335 = arith.index_cast %scan3A_331 : i32 to index
      %get3A_336 = arith.index_cast %get3A : i32 to index
      %get3A_337 = arith.constant 0 : index
      %get3A_338 = tpu.vector_load %arg5[%get3A_335, %get3A_336, %get3A_337] {strides = array<i32>} : memref<144x2x128xf32, #tpu.memory_space<vmem>>, vector<16xf32>,
      %get3A_339 = arith.constant 1 : i32
      %get3A_340 = arith.index_cast %scan3A_331 : i32 to index
      %get3A_341 = arith.index_cast %get3A_339 : i32 to index
      %get3A_342 = arith.constant 0 : index
      %get3A_343 = tpu.vector_load %arg5[%get3A_340, %get3A_341, %get3A_342] {strides = array<i32>} : memref<144x2x128xf32, #tpu.memory_space<vmem>>, vector<16xf32>,
      %mul3A_344 = arith.constant 128 : i32
      %mul3A_345 = arith.muli %scan3A_331, %mul3A_344 : i32
      %add3A_346 = arith.constant 0 : i32
      %add3A_347 = arith.addi %mul3A_345, %add3A_346 : i32
      %get3A_348 = arith.index_cast %add3A_347 : i32 to index
      %get3A_349 = tpu.vector_load %arg6[%get3A_348] {strides = array<i32>} : memref<18432xi32, #tpu.memory_space<vmem>>, vector<16xi32>,
      %gt3A = arith.cmpf ogt, %get3A_343, %get3A_338 : vector<16xf32>
      %select_n3A_350 = arith.select %gt3A, %broadcast_in_dim3A_150, %broadcast_in_dim3A_148 : vector<16xi1>, vector<16xi32>
      %add3A_351 = arith.addi %scan3A_333, %select_n3A_350 : vector<16xi32>
      %select_n3A_352 = arith.select %gt3A, %get3A_349, %broadcast_in_dim3A_148 : vector<16xi1>, vector<16xi32>
      %add3A_353 = arith.addi %scan3A_332, %select_n3A_352 : vector<16xi32>
      %add3A_354 = arith.addi %scan3A_334, %get3A_349 : vector<16xi32>
      %get3A_355 = arith.constant 0 : i32
      %get3A_356 = arith.index_cast %scan3A_331 : i32 to index
      %get3A_357 = arith.index_cast %get3A_355 : i32 to index
      %get3A_358 = arith.constant 16 : index
      %get3A_359 = tpu.vector_load %arg5[%get3A_356, %get3A_357, %get3A_358] {strides = array<i32>} : memref<144x2x128xf32, #tpu.memory_space<vmem>>, vector<16xf32>,
      %get3A_360 = arith.constant 1 : i32
      %get3A_361 = arith.index_cast %scan3A_331 : i32 to index
      %get3A_362 = arith.index_cast %get3A_360 : i32 to index
      %get3A_363 = arith.constant 16 : index
      %get3A_364 = tpu.vector_load %arg5[%get3A_361, %get3A_362, %get3A_363] {strides = array<i32>} : memref<144x2x128xf32, #tpu.memory_space<vmem>>, vector<16xf32>,
      %mul3A_365 = arith.constant 128 : i32
      %mul3A_366 = arith.muli %scan3A_331, %mul3A_365 : i32
      %add3A_367 = arith.constant 16 : i32
      %add3A_368 = arith.addi %mul3A_366, %add3A_367 : i32
      %get3A_369 = arith.index_cast %add3A_368 : i32 to index
      %get3A_370 = tpu.vector_load %arg6[%get3A_369] {strides = array<i32>} : memref<18432xi32, #tpu.memory_space<vmem>>, vector<16xi32>,
      %gt3A_371 = arith.cmpf ogt, %get3A_364, %get3A_359 : vector<16xf32>
      %select_n3A_372 = arith.select %gt3A_371, %broadcast_in_dim3A_150, %broadcast_in_dim3A_148 : vector<16xi1>, vector<16xi32>
      %add3A_373 = arith.addi %add3A_351, %select_n3A_372 : vector<16xi32>
      %select_n3A_374 = arith.select %gt3A_371, %get3A_370, %broadcast_in_dim3A_148 : vector<16xi1>, vector<16xi32>
      %add3A_375 = arith.addi %add3A_353, %select_n3A_374 : vector<16xi32>
      %add3A_376 = arith.addi %add3A_354, %get3A_370 : vector<16xi32>
      %get3A_377 = arith.constant 0 : i32
      %get3A_378 = arith.index_cast %scan3A_331 : i32 to index
      %get3A_379 = arith.index_cast %get3A_377 : i32 to index
      %get3A_380 = arith.constant 32 : index
      %get3A_381 = tpu.vector_load %arg5[%get3A_378, %get3A_379, %get3A_380] {strides = array<i32>} : memref<144x2x128xf32, #tpu.memory_space<vmem>>, vector<16xf32>,
      %get3A_382 = arith.constant 1 : i32
      %get3A_383 = arith.index_cast %scan3A_331 : i32 to index
      %get3A_384 = arith.index_cast %get3A_382 : i32 to index
      %get3A_385 = arith.constant 32 : index
      %get3A_386 = tpu.vector_load %arg5[%get3A_383, %get3A_384, %get3A_385] {strides = array<i32>} : memref<144x2x128xf32, #tpu.memory_space<vmem>>, vector<16xf32>,
      %mul3A_387 = arith.constant 128 : i32
      %mul3A_388 = arith.muli %scan3A_331, %mul3A_387 : i32
      %add3A_389 = arith.constant 32 : i32
      %add3A_390 = arith.addi %mul3A_388, %add3A_389 : i32
      %get3A_391 = arith.index_cast %add3A_390 : i32 to index
      %get3A_392 = tpu.vector_load %arg6[%get3A_391] {strides = array<i32>} : memref<18432xi32, #tpu.memory_space<vmem>>, vector<16xi32>,
      %gt3A_393 = arith.cmpf ogt, %get3A_386, %get3A_381 : vector<16xf32>
      %select_n3A_394 = arith.select %gt3A_393, %broadcast_in_dim3A_150, %broadcast_in_dim3A_148 : vector<16xi1>, vector<16xi32>
      %add3A_395 = arith.addi %add3A_373, %select_n3A_394 : vector<16xi32>
      %select_n3A_396 = arith.select %gt3A_393, %get3A_392, %broadcast_in_dim3A_148 : vector<16xi1>, vector<16xi32>
      %add3A_397 = arith.addi %add3A_375, %select_n3A_396 : vector<16xi32>
      %add3A_398 = arith.addi %add3A_376, %get3A_392 : vector<16xi32>
      %get3A_399 = arith.constant 0 : i32
      %get3A_400 = arith.index_cast %scan3A_331 : i32 to index
      %get3A_401 = arith.index_cast %get3A_399 : i32 to index
      %get3A_402 = arith.constant 48 : index
      %get3A_403 = tpu.vector_load %arg5[%get3A_400, %get3A_401, %get3A_402] {strides = array<i32>} : memref<144x2x128xf32, #tpu.memory_space<vmem>>, vector<16xf32>,
      %get3A_404 = arith.constant 1 : i32
      %get3A_405 = arith.index_cast %scan3A_331 : i32 to index
      %get3A_406 = arith.index_cast %get3A_404 : i32 to index
      %get3A_407 = arith.constant 48 : index
      %get3A_408 = tpu.vector_load %arg5[%get3A_405, %get3A_406, %get3A_407] {strides = array<i32>} : memref<144x2x128xf32, #tpu.memory_space<vmem>>, vector<16xf32>,
      %mul3A_409 = arith.constant 128 : i32
      %mul3A_410 = arith.muli %scan3A_331, %mul3A_409 : i32
      %add3A_411 = arith.constant 48 : i32
      %add3A_412 = arith.addi %mul3A_410, %add3A_411 : i32
      %get3A_413 = arith.index_cast %add3A_412 : i32 to index
      %get3A_414 = tpu.vector_load %arg6[%get3A_413] {strides = array<i32>} : memref<18432xi32, #tpu.memory_space<vmem>>, vector<16xi32>,
      %gt3A_415 = arith.cmpf ogt, %get3A_408, %get3A_403 : vector<16xf32>
      %select_n3A_416 = arith.select %gt3A_415, %broadcast_in_dim3A_150, %broadcast_in_dim3A_148 : vector<16xi1>, vector<16xi32>
      %add3A_417 = arith.addi %add3A_395, %select_n3A_416 : vector<16xi32>
      %select_n3A_418 = arith.select %gt3A_415, %get3A_414, %broadcast_in_dim3A_148 : vector<16xi1>, vector<16xi32>
      %add3A_419 = arith.addi %add3A_397, %select_n3A_418 : vector<16xi32>
      %add3A_420 = arith.addi %add3A_398, %get3A_414 : vector<16xi32>
      %get3A_421 = arith.constant 0 : i32
      %get3A_422 = arith.index_cast %scan3A_331 : i32 to index
      %get3A_423 = arith.index_cast %get3A_421 : i32 to index
      %get3A_424 = arith.constant 64 : index
      %get3A_425 = tpu.vector_load %arg5[%get3A_422, %get3A_423, %get3A_424] {strides = array<i32>} : memref<144x2x128xf32, #tpu.memory_space<vmem>>, vector<16xf32>,
      %get3A_426 = arith.constant 1 : i32
      %get3A_427 = arith.index_cast %scan3A_331 : i32 to index
      %get3A_428 = arith.index_cast %get3A_426 : i32 to index
      %get3A_429 = arith.constant 64 : index
      %get3A_430 = tpu.vector_load %arg5[%get3A_427, %get3A_428, %get3A_429] {strides = array<i32>} : memref<144x2x128xf32, #tpu.memory_space<vmem>>, vector<16xf32>,
      %mul3A_431 = arith.constant 128 : i32
      %mul3A_432 = arith.muli %scan3A_331, %mul3A_431 : i32
      %add3A_433 = arith.constant 64 : i32
      %add3A_434 = arith.addi %mul3A_432, %add3A_433 : i32
      %get3A_435 = arith.index_cast %add3A_434 : i32 to index
      %get3A_436 = tpu.vector_load %arg6[%get3A_435] {strides = array<i32>} : memref<18432xi32, #tpu.memory_space<vmem>>, vector<16xi32>,
      %gt3A_437 = arith.cmpf ogt, %get3A_430, %get3A_425 : vector<16xf32>
      %select_n3A_438 = arith.select %gt3A_437, %broadcast_in_dim3A_150, %broadcast_in_dim3A_148 : vector<16xi1>, vector<16xi32>
      %add3A_439 = arith.addi %add3A_417, %select_n3A_438 : vector<16xi32>
      %select_n3A_440 = arith.select %gt3A_437, %get3A_436, %broadcast_in_dim3A_148 : vector<16xi1>, vector<16xi32>
      %add3A_441 = arith.addi %add3A_419, %select_n3A_440 : vector<16xi32>
      %add3A_442 = arith.addi %add3A_420, %get3A_436 : vector<16xi32>
      %get3A_443 = arith.constant 0 : i32
      %get3A_444 = arith.index_cast %scan3A_331 : i32 to index
      %get3A_445 = arith.index_cast %get3A_443 : i32 to index
      %get3A_446 = arith.constant 80 : index
      %get3A_447 = tpu.vector_load %arg5[%get3A_444, %get3A_445, %get3A_446] {strides = array<i32>} : memref<144x2x128xf32, #tpu.memory_space<vmem>>, vector<16xf32>,
      %get3A_448 = arith.constant 1 : i32
      %get3A_449 = arith.index_cast %scan3A_331 : i32 to index
      %get3A_450 = arith.index_cast %get3A_448 : i32 to index
      %get3A_451 = arith.constant 80 : index
      %get3A_452 = tpu.vector_load %arg5[%get3A_449, %get3A_450, %get3A_451] {strides = array<i32>} : memref<144x2x128xf32, #tpu.memory_space<vmem>>, vector<16xf32>,
      %mul3A_453 = arith.constant 128 : i32
      %mul3A_454 = arith.muli %scan3A_331, %mul3A_453 : i32
      %add3A_455 = arith.constant 80 : i32
      %add3A_456 = arith.addi %mul3A_454, %add3A_455 : i32
      %get3A_457 = arith.index_cast %add3A_456 : i32 to index
      %get3A_458 = tpu.vector_load %arg6[%get3A_457] {strides = array<i32>} : memref<18432xi32, #tpu.memory_space<vmem>>, vector<16xi32>,
      %gt3A_459 = arith.cmpf ogt, %get3A_452, %get3A_447 : vector<16xf32>
      %select_n3A_460 = arith.select %gt3A_459, %broadcast_in_dim3A_150, %broadcast_in_dim3A_148 : vector<16xi1>, vector<16xi32>
      %add3A_461 = arith.addi %add3A_439, %select_n3A_460 : vector<16xi32>
      %select_n3A_462 = arith.select %gt3A_459, %get3A_458, %broadcast_in_dim3A_148 : vector<16xi1>, vector<16xi32>
      %add3A_463 = arith.addi %add3A_441, %select_n3A_462 : vector<16xi32>
      %add3A_464 = arith.addi %add3A_442, %get3A_458 : vector<16xi32>
      %get3A_465 = arith.constant 0 : i32
      %get3A_466 = arith.index_cast %scan3A_331 : i32 to index
      %get3A_467 = arith.index_cast %get3A_465 : i32 to index
      %get3A_468 = arith.constant 96 : index
      %get3A_469 = tpu.vector_load %arg5[%get3A_466, %get3A_467, %get3A_468] {strides = array<i32>} : memref<144x2x128xf32, #tpu.memory_space<vmem>>, vector<16xf32>,
      %get3A_470 = arith.constant 1 : i32
      %get3A_471 = arith.index_cast %scan3A_331 : i32 to index
      %get3A_472 = arith.index_cast %get3A_470 : i32 to index
      %get3A_473 = arith.constant 96 : index
      %get3A_474 = tpu.vector_load %arg5[%get3A_471, %get3A_472, %get3A_473] {strides = array<i32>} : memref<144x2x128xf32, #tpu.memory_space<vmem>>, vector<16xf32>,
      %mul3A_475 = arith.constant 128 : i32
      %mul3A_476 = arith.muli %scan3A_331, %mul3A_475 : i32
      %add3A_477 = arith.constant 96 : i32
      %add3A_478 = arith.addi %mul3A_476, %add3A_477 : i32
      %get3A_479 = arith.index_cast %add3A_478 : i32 to index
      %get3A_480 = tpu.vector_load %arg6[%get3A_479] {strides = array<i32>} : memref<18432xi32, #tpu.memory_space<vmem>>, vector<16xi32>,
      %gt3A_481 = arith.cmpf ogt, %get3A_474, %get3A_469 : vector<16xf32>
      %select_n3A_482 = arith.select %gt3A_481, %broadcast_in_dim3A_150, %broadcast_in_dim3A_148 : vector<16xi1>, vector<16xi32>
      %add3A_483 = arith.addi %add3A_461, %select_n3A_482 : vector<16xi32>
      %select_n3A_484 = arith.select %gt3A_481, %get3A_480, %broadcast_in_dim3A_148 : vector<16xi1>, vector<16xi32>
      %add3A_485 = arith.addi %add3A_463, %select_n3A_484 : vector<16xi32>
      %add3A_486 = arith.addi %add3A_464, %get3A_480 : vector<16xi32>
      %get3A_487 = arith.constant 0 : i32
      %get3A_488 = arith.index_cast %scan3A_331 : i32 to index
      %get3A_489 = arith.index_cast %get3A_487 : i32 to index
      %get3A_490 = arith.constant 112 : index
      %get3A_491 = tpu.vector_load %arg5[%get3A_488, %get3A_489, %get3A_490] {strides = array<i32>} : memref<144x2x128xf32, #tpu.memory_space<vmem>>, vector<16xf32>,
      %get3A_492 = arith.constant 1 : i32
      %get3A_493 = arith.index_cast %scan3A_331 : i32 to index
      %get3A_494 = arith.index_cast %get3A_492 : i32 to index
      %get3A_495 = arith.constant 112 : index
      %get3A_496 = tpu.vector_load %arg5[%get3A_493, %get3A_494, %get3A_495] {strides = array<i32>} : memref<144x2x128xf32, #tpu.memory_space<vmem>>, vector<16xf32>,
      %mul3A_497 = arith.constant 128 : i32
      %mul3A_498 = arith.muli %scan3A_331, %mul3A_497 : i32
      %add3A_499 = arith.constant 112 : i32
      %add3A_500 = arith.addi %mul3A_498, %add3A_499 : i32
      %get3A_501 = arith.index_cast %add3A_500 : i32 to index
      %get3A_502 = tpu.vector_load %arg6[%get3A_501] {strides = array<i32>} : memref<18432xi32, #tpu.memory_space<vmem>>, vector<16xi32>,
      %gt3A_503 = arith.cmpf ogt, %get3A_496, %get3A_491 : vector<16xf32>
      %select_n3A_504 = arith.select %gt3A_503, %broadcast_in_dim3A_150, %broadcast_in_dim3A_148 : vector<16xi1>, vector<16xi32>
      %add3A_505 = arith.addi %add3A_483, %select_n3A_504 : vector<16xi32>
      %select_n3A_506 = arith.select %gt3A_503, %get3A_502, %broadcast_in_dim3A_148 : vector<16xi1>, vector<16xi32>
      %add3A_507 = arith.addi %add3A_485, %select_n3A_506 : vector<16xi32>
      %add3A_508 = arith.addi %add3A_486, %get3A_502 : vector<16xi32>
      scf.yield %add3A_507, %add3A_505, %add3A_508 : vector<16xi32>, vector<16xi32>, vector<16xi32>
    }
    %scan3A_226 = arith.constant 24 : i32
    %dma_wait3A_227 = arith.constant 72 : i32
    %dma_wait3A_228 = arith.constant 0 : i32
    %dma_wait3A_229 = arith.constant 0 : i32
    %dma_wait3A_230 = tpu.memref_slice %arg5[%dma_wait3A_227, %dma_wait3A_228, %dma_wait3A_229] : memref<144x2x128xf32, #tpu.memory_space<vmem>> -> memref<24x2x128xf32, #tpu.memory_space<vmem>>
    %dma_wait3A_231 = arith.constant 0 : i32
    %dma_wait3A_232 = arith.constant 0 : i32
    %dma_wait3A_233 = tpu.memref_slice %arg2[%add3A_77, %dma_wait3A_231, %dma_wait3A_232] : memref<8192x2x128xf32, #tpu.memory_space<hbm>> -> memref<24x2x128xf32, #tpu.memory_space<hbm>>
    %dma_wait3A_234 = arith.constant 72 : i32
    %dma_wait3A_235 = arith.constant 0 : i32
    %dma_wait3A_236 = arith.constant 0 : i32
    %dma_wait3A_237 = tpu.memref_slice %arg5[%dma_wait3A_234, %dma_wait3A_235, %dma_wait3A_236] : memref<144x2x128xf32, #tpu.memory_space<vmem>> -> memref<24x2x128xf32, #tpu.memory_space<vmem>>
    %dma_wait3A_238 = arith.constant 0 : i32
    %dma_wait3A_239 = arith.constant 0 : i32
    %dma_wait3A_240 = tpu.memref_slice %arg2[%add3A_77, %dma_wait3A_238, %dma_wait3A_239] : memref<8192x2x128xf32, #tpu.memory_space<hbm>> -> memref<24x2x128xf32, #tpu.memory_space<hbm>>
    tpu.wait_dma2 semaphore(%arg14 : memref<!tpu.dma_semaphore, #tpu.memory_space<semaphore_mem>>) src(%dma_wait3A_240 : memref<24x2x128xf32, #tpu.memory_space<hbm>>) dst(%dma_wait3A_237 : memref<24x2x128xf32, #tpu.memory_space<vmem>>)
    %dma_wait3A_241 = arith.constant 9216 : i32
    %dma_wait3A_242 = tpu.memref_slice %arg6[%dma_wait3A_241] : memref<18432xi32, #tpu.memory_space<vmem>> -> memref<3072xi32, #tpu.memory_space<vmem>>
    %dma_wait3A_243 = tpu.memref_slice %arg3[%add3A_93] : memref<1048576xi32, #tpu.memory_space<hbm>> -> memref<3072xi32, #tpu.memory_space<hbm>>
    %dma_wait3A_244 = arith.constant 9216 : i32
    %dma_wait3A_245 = tpu.memref_slice %arg6[%dma_wait3A_244] : memref<18432xi32, #tpu.memory_space<vmem>> -> memref<3072xi32, #tpu.memory_space<vmem>>
    %dma_wait3A_246 = tpu.memref_slice %arg3[%add3A_93] : memref<1048576xi32, #tpu.memory_space<hbm>> -> memref<3072xi32, #tpu.memory_space<hbm>>
    tpu.wait_dma2 semaphore(%arg15 : memref<!tpu.dma_semaphore, #tpu.memory_space<semaphore_mem>>) src(%dma_wait3A_246 : memref<3072xi32, #tpu.memory_space<hbm>>) dst(%dma_wait3A_245 : memref<3072xi32, #tpu.memory_space<vmem>>)
    %scan3A_247 = arith.constant 72 : i32
    %scan3A_248 = arith.constant 24 : i32
    %scan3A_249 = arith.addi %scan3A_247, %scan3A_248 : i32
    %scan3A_250 = arith.constant 1 : i32
    %scan3A_251:3 = scf.for %scan3A_331 = %scan3A_247 to %scan3A_249 step %scan3A_250 iter_args(%scan3A_332 = %scan3A_225#0, %scan3A_333 = %scan3A_225#1, %scan3A_334 = %scan3A_225#2) -> (vector<16xi32>, vector<16xi32>, vector<16xi32>)  : i32 {
      %get3A = arith.constant 0 : i32
      %get3A_335 = arith.index_cast %scan3A_331 : i32 to index
      %get3A_336 = arith.index_cast %get3A : i32 to index
      %get3A_337 = arith.constant 0 : index
      %get3A_338 = tpu.vector_load %arg5[%get3A_335, %get3A_336, %get3A_337] {strides = array<i32>} : memref<144x2x128xf32, #tpu.memory_space<vmem>>, vector<16xf32>,
      %get3A_339 = arith.constant 1 : i32
      %get3A_340 = arith.index_cast %scan3A_331 : i32 to index
      %get3A_341 = arith.index_cast %get3A_339 : i32 to index
      %get3A_342 = arith.constant 0 : index
      %get3A_343 = tpu.vector_load %arg5[%get3A_340, %get3A_341, %get3A_342] {strides = array<i32>} : memref<144x2x128xf32, #tpu.memory_space<vmem>>, vector<16xf32>,
      %mul3A_344 = arith.constant 128 : i32
      %mul3A_345 = arith.muli %scan3A_331, %mul3A_344 : i32
      %add3A_346 = arith.constant 0 : i32
      %add3A_347 = arith.addi %mul3A_345, %add3A_346 : i32
      %get3A_348 = arith.index_cast %add3A_347 : i32 to index
      %get3A_349 = tpu.vector_load %arg6[%get3A_348] {strides = array<i32>} : memref<18432xi32, #tpu.memory_space<vmem>>, vector<16xi32>,
      %gt3A = arith.cmpf ogt, %get3A_343, %get3A_338 : vector<16xf32>
      %select_n3A_350 = arith.select %gt3A, %broadcast_in_dim3A_150, %broadcast_in_dim3A_148 : vector<16xi1>, vector<16xi32>
      %add3A_351 = arith.addi %scan3A_333, %select_n3A_350 : vector<16xi32>
      %select_n3A_352 = arith.select %gt3A, %get3A_349, %broadcast_in_dim3A_148 : vector<16xi1>, vector<16xi32>
      %add3A_353 = arith.addi %scan3A_332, %select_n3A_352 : vector<16xi32>
      %add3A_354 = arith.addi %scan3A_334, %get3A_349 : vector<16xi32>
      %get3A_355 = arith.constant 0 : i32
      %get3A_356 = arith.index_cast %scan3A_331 : i32 to index
      %get3A_357 = arith.index_cast %get3A_355 : i32 to index
      %get3A_358 = arith.constant 16 : index
      %get3A_359 = tpu.vector_load %arg5[%get3A_356, %get3A_357, %get3A_358] {strides = array<i32>} : memref<144x2x128xf32, #tpu.memory_space<vmem>>, vector<16xf32>,
      %get3A_360 = arith.constant 1 : i32
      %get3A_361 = arith.index_cast %scan3A_331 : i32 to index
      %get3A_362 = arith.index_cast %get3A_360 : i32 to index
      %get3A_363 = arith.constant 16 : index
      %get3A_364 = tpu.vector_load %arg5[%get3A_361, %get3A_362, %get3A_363] {strides = array<i32>} : memref<144x2x128xf32, #tpu.memory_space<vmem>>, vector<16xf32>,
      %mul3A_365 = arith.constant 128 : i32
      %mul3A_366 = arith.muli %scan3A_331, %mul3A_365 : i32
      %add3A_367 = arith.constant 16 : i32
      %add3A_368 = arith.addi %mul3A_366, %add3A_367 : i32
      %get3A_369 = arith.index_cast %add3A_368 : i32 to index
      %get3A_370 = tpu.vector_load %arg6[%get3A_369] {strides = array<i32>} : memref<18432xi32, #tpu.memory_space<vmem>>, vector<16xi32>,
      %gt3A_371 = arith.cmpf ogt, %get3A_364, %get3A_359 : vector<16xf32>
      %select_n3A_372 = arith.select %gt3A_371, %broadcast_in_dim3A_150, %broadcast_in_dim3A_148 : vector<16xi1>, vector<16xi32>
      %add3A_373 = arith.addi %add3A_351, %select_n3A_372 : vector<16xi32>
      %select_n3A_374 = arith.select %gt3A_371, %get3A_370, %broadcast_in_dim3A_148 : vector<16xi1>, vector<16xi32>
      %add3A_375 = arith.addi %add3A_353, %select_n3A_374 : vector<16xi32>
      %add3A_376 = arith.addi %add3A_354, %get3A_370 : vector<16xi32>
      %get3A_377 = arith.constant 0 : i32
      %get3A_378 = arith.index_cast %scan3A_331 : i32 to index
      %get3A_379 = arith.index_cast %get3A_377 : i32 to index
      %get3A_380 = arith.constant 32 : index
      %get3A_381 = tpu.vector_load %arg5[%get3A_378, %get3A_379, %get3A_380] {strides = array<i32>} : memref<144x2x128xf32, #tpu.memory_space<vmem>>, vector<16xf32>,
      %get3A_382 = arith.constant 1 : i32
      %get3A_383 = arith.index_cast %scan3A_331 : i32 to index
      %get3A_384 = arith.index_cast %get3A_382 : i32 to index
      %get3A_385 = arith.constant 32 : index
      %get3A_386 = tpu.vector_load %arg5[%get3A_383, %get3A_384, %get3A_385] {strides = array<i32>} : memref<144x2x128xf32, #tpu.memory_space<vmem>>, vector<16xf32>,
      %mul3A_387 = arith.constant 128 : i32
      %mul3A_388 = arith.muli %scan3A_331, %mul3A_387 : i32
      %add3A_389 = arith.constant 32 : i32
      %add3A_390 = arith.addi %mul3A_388, %add3A_389 : i32
      %get3A_391 = arith.index_cast %add3A_390 : i32 to index
      %get3A_392 = tpu.vector_load %arg6[%get3A_391] {strides = array<i32>} : memref<18432xi32, #tpu.memory_space<vmem>>, vector<16xi32>,
      %gt3A_393 = arith.cmpf ogt, %get3A_386, %get3A_381 : vector<16xf32>
      %select_n3A_394 = arith.select %gt3A_393, %broadcast_in_dim3A_150, %broadcast_in_dim3A_148 : vector<16xi1>, vector<16xi32>
      %add3A_395 = arith.addi %add3A_373, %select_n3A_394 : vector<16xi32>
      %select_n3A_396 = arith.select %gt3A_393, %get3A_392, %broadcast_in_dim3A_148 : vector<16xi1>, vector<16xi32>
      %add3A_397 = arith.addi %add3A_375, %select_n3A_396 : vector<16xi32>
      %add3A_398 = arith.addi %add3A_376, %get3A_392 : vector<16xi32>
      %get3A_399 = arith.constant 0 : i32
      %get3A_400 = arith.index_cast %scan3A_331 : i32 to index
      %get3A_401 = arith.index_cast %get3A_399 : i32 to index
      %get3A_402 = arith.constant 48 : index
      %get3A_403 = tpu.vector_load %arg5[%get3A_400, %get3A_401, %get3A_402] {strides = array<i32>} : memref<144x2x128xf32, #tpu.memory_space<vmem>>, vector<16xf32>,
      %get3A_404 = arith.constant 1 : i32
      %get3A_405 = arith.index_cast %scan3A_331 : i32 to index
      %get3A_406 = arith.index_cast %get3A_404 : i32 to index
      %get3A_407 = arith.constant 48 : index
      %get3A_408 = tpu.vector_load %arg5[%get3A_405, %get3A_406, %get3A_407] {strides = array<i32>} : memref<144x2x128xf32, #tpu.memory_space<vmem>>, vector<16xf32>,
      %mul3A_409 = arith.constant 128 : i32
      %mul3A_410 = arith.muli %scan3A_331, %mul3A_409 : i32
      %add3A_411 = arith.constant 48 : i32
      %add3A_412 = arith.addi %mul3A_410, %add3A_411 : i32
      %get3A_413 = arith.index_cast %add3A_412 : i32 to index
      %get3A_414 = tpu.vector_load %arg6[%get3A_413] {strides = array<i32>} : memref<18432xi32, #tpu.memory_space<vmem>>, vector<16xi32>,
      %gt3A_415 = arith.cmpf ogt, %get3A_408, %get3A_403 : vector<16xf32>
      %select_n3A_416 = arith.select %gt3A_415, %broadcast_in_dim3A_150, %broadcast_in_dim3A_148 : vector<16xi1>, vector<16xi32>
      %add3A_417 = arith.addi %add3A_395, %select_n3A_416 : vector<16xi32>
      %select_n3A_418 = arith.select %gt3A_415, %get3A_414, %broadcast_in_dim3A_148 : vector<16xi1>, vector<16xi32>
      %add3A_419 = arith.addi %add3A_397, %select_n3A_418 : vector<16xi32>
      %add3A_420 = arith.addi %add3A_398, %get3A_414 : vector<16xi32>
      %get3A_421 = arith.constant 0 : i32
      %get3A_422 = arith.index_cast %scan3A_331 : i32 to index
      %get3A_423 = arith.index_cast %get3A_421 : i32 to index
      %get3A_424 = arith.constant 64 : index
      %get3A_425 = tpu.vector_load %arg5[%get3A_422, %get3A_423, %get3A_424] {strides = array<i32>} : memref<144x2x128xf32, #tpu.memory_space<vmem>>, vector<16xf32>,
      %get3A_426 = arith.constant 1 : i32
      %get3A_427 = arith.index_cast %scan3A_331 : i32 to index
      %get3A_428 = arith.index_cast %get3A_426 : i32 to index
      %get3A_429 = arith.constant 64 : index
      %get3A_430 = tpu.vector_load %arg5[%get3A_427, %get3A_428, %get3A_429] {strides = array<i32>} : memref<144x2x128xf32, #tpu.memory_space<vmem>>, vector<16xf32>,
      %mul3A_431 = arith.constant 128 : i32
      %mul3A_432 = arith.muli %scan3A_331, %mul3A_431 : i32
      %add3A_433 = arith.constant 64 : i32
      %add3A_434 = arith.addi %mul3A_432, %add3A_433 : i32
      %get3A_435 = arith.index_cast %add3A_434 : i32 to index
      %get3A_436 = tpu.vector_load %arg6[%get3A_435] {strides = array<i32>} : memref<18432xi32, #tpu.memory_space<vmem>>, vector<16xi32>,
      %gt3A_437 = arith.cmpf ogt, %get3A_430, %get3A_425 : vector<16xf32>
      %select_n3A_438 = arith.select %gt3A_437, %broadcast_in_dim3A_150, %broadcast_in_dim3A_148 : vector<16xi1>, vector<16xi32>
      %add3A_439 = arith.addi %add3A_417, %select_n3A_438 : vector<16xi32>
      %select_n3A_440 = arith.select %gt3A_437, %get3A_436, %broadcast_in_dim3A_148 : vector<16xi1>, vector<16xi32>
      %add3A_441 = arith.addi %add3A_419, %select_n3A_440 : vector<16xi32>
      %add3A_442 = arith.addi %add3A_420, %get3A_436 : vector<16xi32>
      %get3A_443 = arith.constant 0 : i32
      %get3A_444 = arith.index_cast %scan3A_331 : i32 to index
      %get3A_445 = arith.index_cast %get3A_443 : i32 to index
      %get3A_446 = arith.constant 80 : index
      %get3A_447 = tpu.vector_load %arg5[%get3A_444, %get3A_445, %get3A_446] {strides = array<i32>} : memref<144x2x128xf32, #tpu.memory_space<vmem>>, vector<16xf32>,
      %get3A_448 = arith.constant 1 : i32
      %get3A_449 = arith.index_cast %scan3A_331 : i32 to index
      %get3A_450 = arith.index_cast %get3A_448 : i32 to index
      %get3A_451 = arith.constant 80 : index
      %get3A_452 = tpu.vector_load %arg5[%get3A_449, %get3A_450, %get3A_451] {strides = array<i32>} : memref<144x2x128xf32, #tpu.memory_space<vmem>>, vector<16xf32>,
      %mul3A_453 = arith.constant 128 : i32
      %mul3A_454 = arith.muli %scan3A_331, %mul3A_453 : i32
      %add3A_455 = arith.constant 80 : i32
      %add3A_456 = arith.addi %mul3A_454, %add3A_455 : i32
      %get3A_457 = arith.index_cast %add3A_456 : i32 to index
      %get3A_458 = tpu.vector_load %arg6[%get3A_457] {strides = array<i32>} : memref<18432xi32, #tpu.memory_space<vmem>>, vector<16xi32>,
      %gt3A_459 = arith.cmpf ogt, %get3A_452, %get3A_447 : vector<16xf32>
      %select_n3A_460 = arith.select %gt3A_459, %broadcast_in_dim3A_150, %broadcast_in_dim3A_148 : vector<16xi1>, vector<16xi32>
      %add3A_461 = arith.addi %add3A_439, %select_n3A_460 : vector<16xi32>
      %select_n3A_462 = arith.select %gt3A_459, %get3A_458, %broadcast_in_dim3A_148 : vector<16xi1>, vector<16xi32>
      %add3A_463 = arith.addi %add3A_441, %select_n3A_462 : vector<16xi32>
      %add3A_464 = arith.addi %add3A_442, %get3A_458 : vector<16xi32>
      %get3A_465 = arith.constant 0 : i32
      %get3A_466 = arith.index_cast %scan3A_331 : i32 to index
      %get3A_467 = arith.index_cast %get3A_465 : i32 to index
      %get3A_468 = arith.constant 96 : index
      %get3A_469 = tpu.vector_load %arg5[%get3A_466, %get3A_467, %get3A_468] {strides = array<i32>} : memref<144x2x128xf32, #tpu.memory_space<vmem>>, vector<16xf32>,
      %get3A_470 = arith.constant 1 : i32
      %get3A_471 = arith.index_cast %scan3A_331 : i32 to index
      %get3A_472 = arith.index_cast %get3A_470 : i32 to index
      %get3A_473 = arith.constant 96 : index
      %get3A_474 = tpu.vector_load %arg5[%get3A_471, %get3A_472, %get3A_473] {strides = array<i32>} : memref<144x2x128xf32, #tpu.memory_space<vmem>>, vector<16xf32>,
      %mul3A_475 = arith.constant 128 : i32
      %mul3A_476 = arith.muli %scan3A_331, %mul3A_475 : i32
      %add3A_477 = arith.constant 96 : i32
      %add3A_478 = arith.addi %mul3A_476, %add3A_477 : i32
      %get3A_479 = arith.index_cast %add3A_478 : i32 to index
      %get3A_480 = tpu.vector_load %arg6[%get3A_479] {strides = array<i32>} : memref<18432xi32, #tpu.memory_space<vmem>>, vector<16xi32>,
      %gt3A_481 = arith.cmpf ogt, %get3A_474, %get3A_469 : vector<16xf32>
      %select_n3A_482 = arith.select %gt3A_481, %broadcast_in_dim3A_150, %broadcast_in_dim3A_148 : vector<16xi1>, vector<16xi32>
      %add3A_483 = arith.addi %add3A_461, %select_n3A_482 : vector<16xi32>
      %select_n3A_484 = arith.select %gt3A_481, %get3A_480, %broadcast_in_dim3A_148 : vector<16xi1>, vector<16xi32>
      %add3A_485 = arith.addi %add3A_463, %select_n3A_484 : vector<16xi32>
      %add3A_486 = arith.addi %add3A_464, %get3A_480 : vector<16xi32>
      %get3A_487 = arith.constant 0 : i32
      %get3A_488 = arith.index_cast %scan3A_331 : i32 to index
      %get3A_489 = arith.index_cast %get3A_487 : i32 to index
      %get3A_490 = arith.constant 112 : index
      %get3A_491 = tpu.vector_load %arg5[%get3A_488, %get3A_489, %get3A_490] {strides = array<i32>} : memref<144x2x128xf32, #tpu.memory_space<vmem>>, vector<16xf32>,
      %get3A_492 = arith.constant 1 : i32
      %get3A_493 = arith.index_cast %scan3A_331 : i32 to index
      %get3A_494 = arith.index_cast %get3A_492 : i32 to index
      %get3A_495 = arith.constant 112 : index
      %get3A_496 = tpu.vector_load %arg5[%get3A_493, %get3A_494, %get3A_495] {strides = array<i32>} : memref<144x2x128xf32, #tpu.memory_space<vmem>>, vector<16xf32>,
      %mul3A_497 = arith.constant 128 : i32
      %mul3A_498 = arith.muli %scan3A_331, %mul3A_497 : i32
      %add3A_499 = arith.constant 112 : i32
      %add3A_500 = arith.addi %mul3A_498, %add3A_499 : i32
      %get3A_501 = arith.index_cast %add3A_500 : i32 to index
      %get3A_502 = tpu.vector_load %arg6[%get3A_501] {strides = array<i32>} : memref<18432xi32, #tpu.memory_space<vmem>>, vector<16xi32>,
      %gt3A_503 = arith.cmpf ogt, %get3A_496, %get3A_491 : vector<16xf32>
      %select_n3A_504 = arith.select %gt3A_503, %broadcast_in_dim3A_150, %broadcast_in_dim3A_148 : vector<16xi1>, vector<16xi32>
      %add3A_505 = arith.addi %add3A_483, %select_n3A_504 : vector<16xi32>
      %select_n3A_506 = arith.select %gt3A_503, %get3A_502, %broadcast_in_dim3A_148 : vector<16xi1>, vector<16xi32>
      %add3A_507 = arith.addi %add3A_485, %select_n3A_506 : vector<16xi32>
      %add3A_508 = arith.addi %add3A_486, %get3A_502 : vector<16xi32>
      scf.yield %add3A_507, %add3A_505, %add3A_508 : vector<16xi32>, vector<16xi32>, vector<16xi32>
    }
    %scan3A_252 = arith.constant 24 : i32
    %dma_wait3A_253 = arith.constant 96 : i32
    %dma_wait3A_254 = arith.constant 0 : i32
    %dma_wait3A_255 = arith.constant 0 : i32
    %dma_wait3A_256 = tpu.memref_slice %arg5[%dma_wait3A_253, %dma_wait3A_254, %dma_wait3A_255] : memref<144x2x128xf32, #tpu.memory_space<vmem>> -> memref<24x2x128xf32, #tpu.memory_space<vmem>>
    %dma_wait3A_257 = arith.constant 0 : i32
    %dma_wait3A_258 = arith.constant 0 : i32
    %dma_wait3A_259 = tpu.memref_slice %arg2[%add3A_101, %dma_wait3A_257, %dma_wait3A_258] : memref<8192x2x128xf32, #tpu.memory_space<hbm>> -> memref<24x2x128xf32, #tpu.memory_space<hbm>>
    %dma_wait3A_260 = arith.constant 96 : i32
    %dma_wait3A_261 = arith.constant 0 : i32
    %dma_wait3A_262 = arith.constant 0 : i32
    %dma_wait3A_263 = tpu.memref_slice %arg5[%dma_wait3A_260, %dma_wait3A_261, %dma_wait3A_262] : memref<144x2x128xf32, #tpu.memory_space<vmem>> -> memref<24x2x128xf32, #tpu.memory_space<vmem>>
    %dma_wait3A_264 = arith.constant 0 : i32
    %dma_wait3A_265 = arith.constant 0 : i32
    %dma_wait3A_266 = tpu.memref_slice %arg2[%add3A_101, %dma_wait3A_264, %dma_wait3A_265] : memref<8192x2x128xf32, #tpu.memory_space<hbm>> -> memref<24x2x128xf32, #tpu.memory_space<hbm>>
    tpu.wait_dma2 semaphore(%arg16 : memref<!tpu.dma_semaphore, #tpu.memory_space<semaphore_mem>>) src(%dma_wait3A_266 : memref<24x2x128xf32, #tpu.memory_space<hbm>>) dst(%dma_wait3A_263 : memref<24x2x128xf32, #tpu.memory_space<vmem>>)
    %dma_wait3A_267 = arith.constant 12288 : i32
    %dma_wait3A_268 = tpu.memref_slice %arg6[%dma_wait3A_267] : memref<18432xi32, #tpu.memory_space<vmem>> -> memref<3072xi32, #tpu.memory_space<vmem>>
    %dma_wait3A_269 = tpu.memref_slice %arg3[%add3A_117] : memref<1048576xi32, #tpu.memory_space<hbm>> -> memref<3072xi32, #tpu.memory_space<hbm>>
    %dma_wait3A_270 = arith.constant 12288 : i32
    %dma_wait3A_271 = tpu.memref_slice %arg6[%dma_wait3A_270] : memref<18432xi32, #tpu.memory_space<vmem>> -> memref<3072xi32, #tpu.memory_space<vmem>>
    %dma_wait3A_272 = tpu.memref_slice %arg3[%add3A_117] : memref<1048576xi32, #tpu.memory_space<hbm>> -> memref<3072xi32, #tpu.memory_space<hbm>>
    tpu.wait_dma2 semaphore(%arg17 : memref<!tpu.dma_semaphore, #tpu.memory_space<semaphore_mem>>) src(%dma_wait3A_272 : memref<3072xi32, #tpu.memory_space<hbm>>) dst(%dma_wait3A_271 : memref<3072xi32, #tpu.memory_space<vmem>>)
    %scan3A_273 = arith.constant 96 : i32
    %scan3A_274 = arith.constant 24 : i32
    %scan3A_275 = arith.addi %scan3A_273, %scan3A_274 : i32
    %scan3A_276 = arith.constant 1 : i32
    %scan3A_277:3 = scf.for %scan3A_331 = %scan3A_273 to %scan3A_275 step %scan3A_276 iter_args(%scan3A_332 = %scan3A_251#0, %scan3A_333 = %scan3A_251#1, %scan3A_334 = %scan3A_251#2) -> (vector<16xi32>, vector<16xi32>, vector<16xi32>)  : i32 {
      %get3A = arith.constant 0 : i32
      %get3A_335 = arith.index_cast %scan3A_331 : i32 to index
      %get3A_336 = arith.index_cast %get3A : i32 to index
      %get3A_337 = arith.constant 0 : index
      %get3A_338 = tpu.vector_load %arg5[%get3A_335, %get3A_336, %get3A_337] {strides = array<i32>} : memref<144x2x128xf32, #tpu.memory_space<vmem>>, vector<16xf32>,
      %get3A_339 = arith.constant 1 : i32
      %get3A_340 = arith.index_cast %scan3A_331 : i32 to index
      %get3A_341 = arith.index_cast %get3A_339 : i32 to index
      %get3A_342 = arith.constant 0 : index
      %get3A_343 = tpu.vector_load %arg5[%get3A_340, %get3A_341, %get3A_342] {strides = array<i32>} : memref<144x2x128xf32, #tpu.memory_space<vmem>>, vector<16xf32>,
      %mul3A_344 = arith.constant 128 : i32
      %mul3A_345 = arith.muli %scan3A_331, %mul3A_344 : i32
      %add3A_346 = arith.constant 0 : i32
      %add3A_347 = arith.addi %mul3A_345, %add3A_346 : i32
      %get3A_348 = arith.index_cast %add3A_347 : i32 to index
      %get3A_349 = tpu.vector_load %arg6[%get3A_348] {strides = array<i32>} : memref<18432xi32, #tpu.memory_space<vmem>>, vector<16xi32>,
      %gt3A = arith.cmpf ogt, %get3A_343, %get3A_338 : vector<16xf32>
      %select_n3A_350 = arith.select %gt3A, %broadcast_in_dim3A_150, %broadcast_in_dim3A_148 : vector<16xi1>, vector<16xi32>
      %add3A_351 = arith.addi %scan3A_333, %select_n3A_350 : vector<16xi32>
      %select_n3A_352 = arith.select %gt3A, %get3A_349, %broadcast_in_dim3A_148 : vector<16xi1>, vector<16xi32>
      %add3A_353 = arith.addi %scan3A_332, %select_n3A_352 : vector<16xi32>
      %add3A_354 = arith.addi %scan3A_334, %get3A_349 : vector<16xi32>
      %get3A_355 = arith.constant 0 : i32
      %get3A_356 = arith.index_cast %scan3A_331 : i32 to index
      %get3A_357 = arith.index_cast %get3A_355 : i32 to index
      %get3A_358 = arith.constant 16 : index
      %get3A_359 = tpu.vector_load %arg5[%get3A_356, %get3A_357, %get3A_358] {strides = array<i32>} : memref<144x2x128xf32, #tpu.memory_space<vmem>>, vector<16xf32>,
      %get3A_360 = arith.constant 1 : i32
      %get3A_361 = arith.index_cast %scan3A_331 : i32 to index
      %get3A_362 = arith.index_cast %get3A_360 : i32 to index
      %get3A_363 = arith.constant 16 : index
      %get3A_364 = tpu.vector_load %arg5[%get3A_361, %get3A_362, %get3A_363] {strides = array<i32>} : memref<144x2x128xf32, #tpu.memory_space<vmem>>, vector<16xf32>,
      %mul3A_365 = arith.constant 128 : i32
      %mul3A_366 = arith.muli %scan3A_331, %mul3A_365 : i32
      %add3A_367 = arith.constant 16 : i32
      %add3A_368 = arith.addi %mul3A_366, %add3A_367 : i32
      %get3A_369 = arith.index_cast %add3A_368 : i32 to index
      %get3A_370 = tpu.vector_load %arg6[%get3A_369] {strides = array<i32>} : memref<18432xi32, #tpu.memory_space<vmem>>, vector<16xi32>,
      %gt3A_371 = arith.cmpf ogt, %get3A_364, %get3A_359 : vector<16xf32>
      %select_n3A_372 = arith.select %gt3A_371, %broadcast_in_dim3A_150, %broadcast_in_dim3A_148 : vector<16xi1>, vector<16xi32>
      %add3A_373 = arith.addi %add3A_351, %select_n3A_372 : vector<16xi32>
      %select_n3A_374 = arith.select %gt3A_371, %get3A_370, %broadcast_in_dim3A_148 : vector<16xi1>, vector<16xi32>
      %add3A_375 = arith.addi %add3A_353, %select_n3A_374 : vector<16xi32>
      %add3A_376 = arith.addi %add3A_354, %get3A_370 : vector<16xi32>
      %get3A_377 = arith.constant 0 : i32
      %get3A_378 = arith.index_cast %scan3A_331 : i32 to index
      %get3A_379 = arith.index_cast %get3A_377 : i32 to index
      %get3A_380 = arith.constant 32 : index
      %get3A_381 = tpu.vector_load %arg5[%get3A_378, %get3A_379, %get3A_380] {strides = array<i32>} : memref<144x2x128xf32, #tpu.memory_space<vmem>>, vector<16xf32>,
      %get3A_382 = arith.constant 1 : i32
      %get3A_383 = arith.index_cast %scan3A_331 : i32 to index
      %get3A_384 = arith.index_cast %get3A_382 : i32 to index
      %get3A_385 = arith.constant 32 : index
      %get3A_386 = tpu.vector_load %arg5[%get3A_383, %get3A_384, %get3A_385] {strides = array<i32>} : memref<144x2x128xf32, #tpu.memory_space<vmem>>, vector<16xf32>,
      %mul3A_387 = arith.constant 128 : i32
      %mul3A_388 = arith.muli %scan3A_331, %mul3A_387 : i32
      %add3A_389 = arith.constant 32 : i32
      %add3A_390 = arith.addi %mul3A_388, %add3A_389 : i32
      %get3A_391 = arith.index_cast %add3A_390 : i32 to index
      %get3A_392 = tpu.vector_load %arg6[%get3A_391] {strides = array<i32>} : memref<18432xi32, #tpu.memory_space<vmem>>, vector<16xi32>,
      %gt3A_393 = arith.cmpf ogt, %get3A_386, %get3A_381 : vector<16xf32>
      %select_n3A_394 = arith.select %gt3A_393, %broadcast_in_dim3A_150, %broadcast_in_dim3A_148 : vector<16xi1>, vector<16xi32>
      %add3A_395 = arith.addi %add3A_373, %select_n3A_394 : vector<16xi32>
      %select_n3A_396 = arith.select %gt3A_393, %get3A_392, %broadcast_in_dim3A_148 : vector<16xi1>, vector<16xi32>
      %add3A_397 = arith.addi %add3A_375, %select_n3A_396 : vector<16xi32>
      %add3A_398 = arith.addi %add3A_376, %get3A_392 : vector<16xi32>
      %get3A_399 = arith.constant 0 : i32
      %get3A_400 = arith.index_cast %scan3A_331 : i32 to index
      %get3A_401 = arith.index_cast %get3A_399 : i32 to index
      %get3A_402 = arith.constant 48 : index
      %get3A_403 = tpu.vector_load %arg5[%get3A_400, %get3A_401, %get3A_402] {strides = array<i32>} : memref<144x2x128xf32, #tpu.memory_space<vmem>>, vector<16xf32>,
      %get3A_404 = arith.constant 1 : i32
      %get3A_405 = arith.index_cast %scan3A_331 : i32 to index
      %get3A_406 = arith.index_cast %get3A_404 : i32 to index
      %get3A_407 = arith.constant 48 : index
      %get3A_408 = tpu.vector_load %arg5[%get3A_405, %get3A_406, %get3A_407] {strides = array<i32>} : memref<144x2x128xf32, #tpu.memory_space<vmem>>, vector<16xf32>,
      %mul3A_409 = arith.constant 128 : i32
      %mul3A_410 = arith.muli %scan3A_331, %mul3A_409 : i32
      %add3A_411 = arith.constant 48 : i32
      %add3A_412 = arith.addi %mul3A_410, %add3A_411 : i32
      %get3A_413 = arith.index_cast %add3A_412 : i32 to index
      %get3A_414 = tpu.vector_load %arg6[%get3A_413] {strides = array<i32>} : memref<18432xi32, #tpu.memory_space<vmem>>, vector<16xi32>,
      %gt3A_415 = arith.cmpf ogt, %get3A_408, %get3A_403 : vector<16xf32>
      %select_n3A_416 = arith.select %gt3A_415, %broadcast_in_dim3A_150, %broadcast_in_dim3A_148 : vector<16xi1>, vector<16xi32>
      %add3A_417 = arith.addi %add3A_395, %select_n3A_416 : vector<16xi32>
      %select_n3A_418 = arith.select %gt3A_415, %get3A_414, %broadcast_in_dim3A_148 : vector<16xi1>, vector<16xi32>
      %add3A_419 = arith.addi %add3A_397, %select_n3A_418 : vector<16xi32>
      %add3A_420 = arith.addi %add3A_398, %get3A_414 : vector<16xi32>
      %get3A_421 = arith.constant 0 : i32
      %get3A_422 = arith.index_cast %scan3A_331 : i32 to index
      %get3A_423 = arith.index_cast %get3A_421 : i32 to index
      %get3A_424 = arith.constant 64 : index
      %get3A_425 = tpu.vector_load %arg5[%get3A_422, %get3A_423, %get3A_424] {strides = array<i32>} : memref<144x2x128xf32, #tpu.memory_space<vmem>>, vector<16xf32>,
      %get3A_426 = arith.constant 1 : i32
      %get3A_427 = arith.index_cast %scan3A_331 : i32 to index
      %get3A_428 = arith.index_cast %get3A_426 : i32 to index
      %get3A_429 = arith.constant 64 : index
      %get3A_430 = tpu.vector_load %arg5[%get3A_427, %get3A_428, %get3A_429] {strides = array<i32>} : memref<144x2x128xf32, #tpu.memory_space<vmem>>, vector<16xf32>,
      %mul3A_431 = arith.constant 128 : i32
      %mul3A_432 = arith.muli %scan3A_331, %mul3A_431 : i32
      %add3A_433 = arith.constant 64 : i32
      %add3A_434 = arith.addi %mul3A_432, %add3A_433 : i32
      %get3A_435 = arith.index_cast %add3A_434 : i32 to index
      %get3A_436 = tpu.vector_load %arg6[%get3A_435] {strides = array<i32>} : memref<18432xi32, #tpu.memory_space<vmem>>, vector<16xi32>,
      %gt3A_437 = arith.cmpf ogt, %get3A_430, %get3A_425 : vector<16xf32>
      %select_n3A_438 = arith.select %gt3A_437, %broadcast_in_dim3A_150, %broadcast_in_dim3A_148 : vector<16xi1>, vector<16xi32>
      %add3A_439 = arith.addi %add3A_417, %select_n3A_438 : vector<16xi32>
      %select_n3A_440 = arith.select %gt3A_437, %get3A_436, %broadcast_in_dim3A_148 : vector<16xi1>, vector<16xi32>
      %add3A_441 = arith.addi %add3A_419, %select_n3A_440 : vector<16xi32>
      %add3A_442 = arith.addi %add3A_420, %get3A_436 : vector<16xi32>
      %get3A_443 = arith.constant 0 : i32
      %get3A_444 = arith.index_cast %scan3A_331 : i32 to index
      %get3A_445 = arith.index_cast %get3A_443 : i32 to index
      %get3A_446 = arith.constant 80 : index
      %get3A_447 = tpu.vector_load %arg5[%get3A_444, %get3A_445, %get3A_446] {strides = array<i32>} : memref<144x2x128xf32, #tpu.memory_space<vmem>>, vector<16xf32>,
      %get3A_448 = arith.constant 1 : i32
      %get3A_449 = arith.index_cast %scan3A_331 : i32 to index
      %get3A_450 = arith.index_cast %get3A_448 : i32 to index
      %get3A_451 = arith.constant 80 : index
      %get3A_452 = tpu.vector_load %arg5[%get3A_449, %get3A_450, %get3A_451] {strides = array<i32>} : memref<144x2x128xf32, #tpu.memory_space<vmem>>, vector<16xf32>,
      %mul3A_453 = arith.constant 128 : i32
      %mul3A_454 = arith.muli %scan3A_331, %mul3A_453 : i32
      %add3A_455 = arith.constant 80 : i32
      %add3A_456 = arith.addi %mul3A_454, %add3A_455 : i32
      %get3A_457 = arith.index_cast %add3A_456 : i32 to index
      %get3A_458 = tpu.vector_load %arg6[%get3A_457] {strides = array<i32>} : memref<18432xi32, #tpu.memory_space<vmem>>, vector<16xi32>,
      %gt3A_459 = arith.cmpf ogt, %get3A_452, %get3A_447 : vector<16xf32>
      %select_n3A_460 = arith.select %gt3A_459, %broadcast_in_dim3A_150, %broadcast_in_dim3A_148 : vector<16xi1>, vector<16xi32>
      %add3A_461 = arith.addi %add3A_439, %select_n3A_460 : vector<16xi32>
      %select_n3A_462 = arith.select %gt3A_459, %get3A_458, %broadcast_in_dim3A_148 : vector<16xi1>, vector<16xi32>
      %add3A_463 = arith.addi %add3A_441, %select_n3A_462 : vector<16xi32>
      %add3A_464 = arith.addi %add3A_442, %get3A_458 : vector<16xi32>
      %get3A_465 = arith.constant 0 : i32
      %get3A_466 = arith.index_cast %scan3A_331 : i32 to index
      %get3A_467 = arith.index_cast %get3A_465 : i32 to index
      %get3A_468 = arith.constant 96 : index
      %get3A_469 = tpu.vector_load %arg5[%get3A_466, %get3A_467, %get3A_468] {strides = array<i32>} : memref<144x2x128xf32, #tpu.memory_space<vmem>>, vector<16xf32>,
      %get3A_470 = arith.constant 1 : i32
      %get3A_471 = arith.index_cast %scan3A_331 : i32 to index
      %get3A_472 = arith.index_cast %get3A_470 : i32 to index
      %get3A_473 = arith.constant 96 : index
      %get3A_474 = tpu.vector_load %arg5[%get3A_471, %get3A_472, %get3A_473] {strides = array<i32>} : memref<144x2x128xf32, #tpu.memory_space<vmem>>, vector<16xf32>,
      %mul3A_475 = arith.constant 128 : i32
      %mul3A_476 = arith.muli %scan3A_331, %mul3A_475 : i32
      %add3A_477 = arith.constant 96 : i32
      %add3A_478 = arith.addi %mul3A_476, %add3A_477 : i32
      %get3A_479 = arith.index_cast %add3A_478 : i32 to index
      %get3A_480 = tpu.vector_load %arg6[%get3A_479] {strides = array<i32>} : memref<18432xi32, #tpu.memory_space<vmem>>, vector<16xi32>,
      %gt3A_481 = arith.cmpf ogt, %get3A_474, %get3A_469 : vector<16xf32>
      %select_n3A_482 = arith.select %gt3A_481, %broadcast_in_dim3A_150, %broadcast_in_dim3A_148 : vector<16xi1>, vector<16xi32>
      %add3A_483 = arith.addi %add3A_461, %select_n3A_482 : vector<16xi32>
      %select_n3A_484 = arith.select %gt3A_481, %get3A_480, %broadcast_in_dim3A_148 : vector<16xi1>, vector<16xi32>
      %add3A_485 = arith.addi %add3A_463, %select_n3A_484 : vector<16xi32>
      %add3A_486 = arith.addi %add3A_464, %get3A_480 : vector<16xi32>
      %get3A_487 = arith.constant 0 : i32
      %get3A_488 = arith.index_cast %scan3A_331 : i32 to index
      %get3A_489 = arith.index_cast %get3A_487 : i32 to index
      %get3A_490 = arith.constant 112 : index
      %get3A_491 = tpu.vector_load %arg5[%get3A_488, %get3A_489, %get3A_490] {strides = array<i32>} : memref<144x2x128xf32, #tpu.memory_space<vmem>>, vector<16xf32>,
      %get3A_492 = arith.constant 1 : i32
      %get3A_493 = arith.index_cast %scan3A_331 : i32 to index
      %get3A_494 = arith.index_cast %get3A_492 : i32 to index
      %get3A_495 = arith.constant 112 : index
      %get3A_496 = tpu.vector_load %arg5[%get3A_493, %get3A_494, %get3A_495] {strides = array<i32>} : memref<144x2x128xf32, #tpu.memory_space<vmem>>, vector<16xf32>,
      %mul3A_497 = arith.constant 128 : i32
      %mul3A_498 = arith.muli %scan3A_331, %mul3A_497 : i32
      %add3A_499 = arith.constant 112 : i32
      %add3A_500 = arith.addi %mul3A_498, %add3A_499 : i32
      %get3A_501 = arith.index_cast %add3A_500 : i32 to index
      %get3A_502 = tpu.vector_load %arg6[%get3A_501] {strides = array<i32>} : memref<18432xi32, #tpu.memory_space<vmem>>, vector<16xi32>,
      %gt3A_503 = arith.cmpf ogt, %get3A_496, %get3A_491 : vector<16xf32>
      %select_n3A_504 = arith.select %gt3A_503, %broadcast_in_dim3A_150, %broadcast_in_dim3A_148 : vector<16xi1>, vector<16xi32>
      %add3A_505 = arith.addi %add3A_483, %select_n3A_504 : vector<16xi32>
      %select_n3A_506 = arith.select %gt3A_503, %get3A_502, %broadcast_in_dim3A_148 : vector<16xi1>, vector<16xi32>
      %add3A_507 = arith.addi %add3A_485, %select_n3A_506 : vector<16xi32>
      %add3A_508 = arith.addi %add3A_486, %get3A_502 : vector<16xi32>
      scf.yield %add3A_507, %add3A_505, %add3A_508 : vector<16xi32>, vector<16xi32>, vector<16xi32>
    }
    %scan3A_278 = arith.constant 24 : i32
    %dma_wait3A_279 = arith.constant 120 : i32
    %dma_wait3A_280 = arith.constant 0 : i32
    %dma_wait3A_281 = arith.constant 0 : i32
    %dma_wait3A_282 = tpu.memref_slice %arg5[%dma_wait3A_279, %dma_wait3A_280, %dma_wait3A_281] : memref<144x2x128xf32, #tpu.memory_space<vmem>> -> memref<24x2x128xf32, #tpu.memory_space<vmem>>
    %dma_wait3A_283 = arith.constant 0 : i32
    %dma_wait3A_284 = arith.constant 0 : i32
    %dma_wait3A_285 = tpu.memref_slice %arg2[%add3A_125, %dma_wait3A_283, %dma_wait3A_284] : memref<8192x2x128xf32, #tpu.memory_space<hbm>> -> memref<24x2x128xf32, #tpu.memory_space<hbm>>
    %dma_wait3A_286 = arith.constant 120 : i32
    %dma_wait3A_287 = arith.constant 0 : i32
    %dma_wait3A_288 = arith.constant 0 : i32
    %dma_wait3A_289 = tpu.memref_slice %arg5[%dma_wait3A_286, %dma_wait3A_287, %dma_wait3A_288] : memref<144x2x128xf32, #tpu.memory_space<vmem>> -> memref<24x2x128xf32, #tpu.memory_space<vmem>>
    %dma_wait3A_290 = arith.constant 0 : i32
    %dma_wait3A_291 = arith.constant 0 : i32
    %dma_wait3A_292 = tpu.memref_slice %arg2[%add3A_125, %dma_wait3A_290, %dma_wait3A_291] : memref<8192x2x128xf32, #tpu.memory_space<hbm>> -> memref<24x2x128xf32, #tpu.memory_space<hbm>>
    tpu.wait_dma2 semaphore(%arg18 : memref<!tpu.dma_semaphore, #tpu.memory_space<semaphore_mem>>) src(%dma_wait3A_292 : memref<24x2x128xf32, #tpu.memory_space<hbm>>) dst(%dma_wait3A_289 : memref<24x2x128xf32, #tpu.memory_space<vmem>>)
    %dma_wait3A_293 = arith.constant 15360 : i32
    %dma_wait3A_294 = tpu.memref_slice %arg6[%dma_wait3A_293] : memref<18432xi32, #tpu.memory_space<vmem>> -> memref<3072xi32, #tpu.memory_space<vmem>>
    %dma_wait3A_295 = tpu.memref_slice %arg3[%add3A_141] : memref<1048576xi32, #tpu.memory_space<hbm>> -> memref<3072xi32, #tpu.memory_space<hbm>>
    %dma_wait3A_296 = arith.constant 15360 : i32
    %dma_wait3A_297 = tpu.memref_slice %arg6[%dma_wait3A_296] : memref<18432xi32, #tpu.memory_space<vmem>> -> memref<3072xi32, #tpu.memory_space<vmem>>
    %dma_wait3A_298 = tpu.memref_slice %arg3[%add3A_141] : memref<1048576xi32, #tpu.memory_space<hbm>> -> memref<3072xi32, #tpu.memory_space<hbm>>
    tpu.wait_dma2 semaphore(%arg19 : memref<!tpu.dma_semaphore, #tpu.memory_space<semaphore_mem>>) src(%dma_wait3A_298 : memref<3072xi32, #tpu.memory_space<hbm>>) dst(%dma_wait3A_297 : memref<3072xi32, #tpu.memory_space<vmem>>)
    %scan3A_299 = arith.constant 120 : i32
    %scan3A_300 = arith.constant 24 : i32
    %scan3A_301 = arith.addi %scan3A_299, %scan3A_300 : i32
    %scan3A_302 = arith.constant 1 : i32
    %scan3A_303:3 = scf.for %scan3A_331 = %scan3A_299 to %scan3A_301 step %scan3A_302 iter_args(%scan3A_332 = %scan3A_277#0, %scan3A_333 = %scan3A_277#1, %scan3A_334 = %scan3A_277#2) -> (vector<16xi32>, vector<16xi32>, vector<16xi32>)  : i32 {
      %get3A = arith.constant 0 : i32
      %get3A_335 = arith.index_cast %scan3A_331 : i32 to index
      %get3A_336 = arith.index_cast %get3A : i32 to index
      %get3A_337 = arith.constant 0 : index
      %get3A_338 = tpu.vector_load %arg5[%get3A_335, %get3A_336, %get3A_337] {strides = array<i32>} : memref<144x2x128xf32, #tpu.memory_space<vmem>>, vector<16xf32>,
      %get3A_339 = arith.constant 1 : i32
      %get3A_340 = arith.index_cast %scan3A_331 : i32 to index
      %get3A_341 = arith.index_cast %get3A_339 : i32 to index
      %get3A_342 = arith.constant 0 : index
      %get3A_343 = tpu.vector_load %arg5[%get3A_340, %get3A_341, %get3A_342] {strides = array<i32>} : memref<144x2x128xf32, #tpu.memory_space<vmem>>, vector<16xf32>,
      %mul3A_344 = arith.constant 128 : i32
      %mul3A_345 = arith.muli %scan3A_331, %mul3A_344 : i32
      %add3A_346 = arith.constant 0 : i32
      %add3A_347 = arith.addi %mul3A_345, %add3A_346 : i32
      %get3A_348 = arith.index_cast %add3A_347 : i32 to index
      %get3A_349 = tpu.vector_load %arg6[%get3A_348] {strides = array<i32>} : memref<18432xi32, #tpu.memory_space<vmem>>, vector<16xi32>,
      %gt3A = arith.cmpf ogt, %get3A_343, %get3A_338 : vector<16xf32>
      %select_n3A_350 = arith.select %gt3A, %broadcast_in_dim3A_150, %broadcast_in_dim3A_148 : vector<16xi1>, vector<16xi32>
      %add3A_351 = arith.addi %scan3A_333, %select_n3A_350 : vector<16xi32>
      %select_n3A_352 = arith.select %gt3A, %get3A_349, %broadcast_in_dim3A_148 : vector<16xi1>, vector<16xi32>
      %add3A_353 = arith.addi %scan3A_332, %select_n3A_352 : vector<16xi32>
      %add3A_354 = arith.addi %scan3A_334, %get3A_349 : vector<16xi32>
      %get3A_355 = arith.constant 0 : i32
      %get3A_356 = arith.index_cast %scan3A_331 : i32 to index
      %get3A_357 = arith.index_cast %get3A_355 : i32 to index
      %get3A_358 = arith.constant 16 : index
      %get3A_359 = tpu.vector_load %arg5[%get3A_356, %get3A_357, %get3A_358] {strides = array<i32>} : memref<144x2x128xf32, #tpu.memory_space<vmem>>, vector<16xf32>,
      %get3A_360 = arith.constant 1 : i32
      %get3A_361 = arith.index_cast %scan3A_331 : i32 to index
      %get3A_362 = arith.index_cast %get3A_360 : i32 to index
      %get3A_363 = arith.constant 16 : index
      %get3A_364 = tpu.vector_load %arg5[%get3A_361, %get3A_362, %get3A_363] {strides = array<i32>} : memref<144x2x128xf32, #tpu.memory_space<vmem>>, vector<16xf32>,
      %mul3A_365 = arith.constant 128 : i32
      %mul3A_366 = arith.muli %scan3A_331, %mul3A_365 : i32
      %add3A_367 = arith.constant 16 : i32
      %add3A_368 = arith.addi %mul3A_366, %add3A_367 : i32
      %get3A_369 = arith.index_cast %add3A_368 : i32 to index
      %get3A_370 = tpu.vector_load %arg6[%get3A_369] {strides = array<i32>} : memref<18432xi32, #tpu.memory_space<vmem>>, vector<16xi32>,
      %gt3A_371 = arith.cmpf ogt, %get3A_364, %get3A_359 : vector<16xf32>
      %select_n3A_372 = arith.select %gt3A_371, %broadcast_in_dim3A_150, %broadcast_in_dim3A_148 : vector<16xi1>, vector<16xi32>
      %add3A_373 = arith.addi %add3A_351, %select_n3A_372 : vector<16xi32>
      %select_n3A_374 = arith.select %gt3A_371, %get3A_370, %broadcast_in_dim3A_148 : vector<16xi1>, vector<16xi32>
      %add3A_375 = arith.addi %add3A_353, %select_n3A_374 : vector<16xi32>
      %add3A_376 = arith.addi %add3A_354, %get3A_370 : vector<16xi32>
      %get3A_377 = arith.constant 0 : i32
      %get3A_378 = arith.index_cast %scan3A_331 : i32 to index
      %get3A_379 = arith.index_cast %get3A_377 : i32 to index
      %get3A_380 = arith.constant 32 : index
      %get3A_381 = tpu.vector_load %arg5[%get3A_378, %get3A_379, %get3A_380] {strides = array<i32>} : memref<144x2x128xf32, #tpu.memory_space<vmem>>, vector<16xf32>,
      %get3A_382 = arith.constant 1 : i32
      %get3A_383 = arith.index_cast %scan3A_331 : i32 to index
      %get3A_384 = arith.index_cast %get3A_382 : i32 to index
      %get3A_385 = arith.constant 32 : index
      %get3A_386 = tpu.vector_load %arg5[%get3A_383, %get3A_384, %get3A_385] {strides = array<i32>} : memref<144x2x128xf32, #tpu.memory_space<vmem>>, vector<16xf32>,
      %mul3A_387 = arith.constant 128 : i32
      %mul3A_388 = arith.muli %scan3A_331, %mul3A_387 : i32
      %add3A_389 = arith.constant 32 : i32
      %add3A_390 = arith.addi %mul3A_388, %add3A_389 : i32
      %get3A_391 = arith.index_cast %add3A_390 : i32 to index
      %get3A_392 = tpu.vector_load %arg6[%get3A_391] {strides = array<i32>} : memref<18432xi32, #tpu.memory_space<vmem>>, vector<16xi32>,
      %gt3A_393 = arith.cmpf ogt, %get3A_386, %get3A_381 : vector<16xf32>
      %select_n3A_394 = arith.select %gt3A_393, %broadcast_in_dim3A_150, %broadcast_in_dim3A_148 : vector<16xi1>, vector<16xi32>
      %add3A_395 = arith.addi %add3A_373, %select_n3A_394 : vector<16xi32>
      %select_n3A_396 = arith.select %gt3A_393, %get3A_392, %broadcast_in_dim3A_148 : vector<16xi1>, vector<16xi32>
      %add3A_397 = arith.addi %add3A_375, %select_n3A_396 : vector<16xi32>
      %add3A_398 = arith.addi %add3A_376, %get3A_392 : vector<16xi32>
      %get3A_399 = arith.constant 0 : i32
      %get3A_400 = arith.index_cast %scan3A_331 : i32 to index
      %get3A_401 = arith.index_cast %get3A_399 : i32 to index
      %get3A_402 = arith.constant 48 : index
      %get3A_403 = tpu.vector_load %arg5[%get3A_400, %get3A_401, %get3A_402] {strides = array<i32>} : memref<144x2x128xf32, #tpu.memory_space<vmem>>, vector<16xf32>,
      %get3A_404 = arith.constant 1 : i32
      %get3A_405 = arith.index_cast %scan3A_331 : i32 to index
      %get3A_406 = arith.index_cast %get3A_404 : i32 to index
      %get3A_407 = arith.constant 48 : index
      %get3A_408 = tpu.vector_load %arg5[%get3A_405, %get3A_406, %get3A_407] {strides = array<i32>} : memref<144x2x128xf32, #tpu.memory_space<vmem>>, vector<16xf32>,
      %mul3A_409 = arith.constant 128 : i32
      %mul3A_410 = arith.muli %scan3A_331, %mul3A_409 : i32
      %add3A_411 = arith.constant 48 : i32
      %add3A_412 = arith.addi %mul3A_410, %add3A_411 : i32
      %get3A_413 = arith.index_cast %add3A_412 : i32 to index
      %get3A_414 = tpu.vector_load %arg6[%get3A_413] {strides = array<i32>} : memref<18432xi32, #tpu.memory_space<vmem>>, vector<16xi32>,
      %gt3A_415 = arith.cmpf ogt, %get3A_408, %get3A_403 : vector<16xf32>
      %select_n3A_416 = arith.select %gt3A_415, %broadcast_in_dim3A_150, %broadcast_in_dim3A_148 : vector<16xi1>, vector<16xi32>
      %add3A_417 = arith.addi %add3A_395, %select_n3A_416 : vector<16xi32>
      %select_n3A_418 = arith.select %gt3A_415, %get3A_414, %broadcast_in_dim3A_148 : vector<16xi1>, vector<16xi32>
      %add3A_419 = arith.addi %add3A_397, %select_n3A_418 : vector<16xi32>
      %add3A_420 = arith.addi %add3A_398, %get3A_414 : vector<16xi32>
      %get3A_421 = arith.constant 0 : i32
      %get3A_422 = arith.index_cast %scan3A_331 : i32 to index
      %get3A_423 = arith.index_cast %get3A_421 : i32 to index
      %get3A_424 = arith.constant 64 : index
      %get3A_425 = tpu.vector_load %arg5[%get3A_422, %get3A_423, %get3A_424] {strides = array<i32>} : memref<144x2x128xf32, #tpu.memory_space<vmem>>, vector<16xf32>,
      %get3A_426 = arith.constant 1 : i32
      %get3A_427 = arith.index_cast %scan3A_331 : i32 to index
      %get3A_428 = arith.index_cast %get3A_426 : i32 to index
      %get3A_429 = arith.constant 64 : index
      %get3A_430 = tpu.vector_load %arg5[%get3A_427, %get3A_428, %get3A_429] {strides = array<i32>} : memref<144x2x128xf32, #tpu.memory_space<vmem>>, vector<16xf32>,
      %mul3A_431 = arith.constant 128 : i32
      %mul3A_432 = arith.muli %scan3A_331, %mul3A_431 : i32
      %add3A_433 = arith.constant 64 : i32
      %add3A_434 = arith.addi %mul3A_432, %add3A_433 : i32
      %get3A_435 = arith.index_cast %add3A_434 : i32 to index
      %get3A_436 = tpu.vector_load %arg6[%get3A_435] {strides = array<i32>} : memref<18432xi32, #tpu.memory_space<vmem>>, vector<16xi32>,
      %gt3A_437 = arith.cmpf ogt, %get3A_430, %get3A_425 : vector<16xf32>
      %select_n3A_438 = arith.select %gt3A_437, %broadcast_in_dim3A_150, %broadcast_in_dim3A_148 : vector<16xi1>, vector<16xi32>
      %add3A_439 = arith.addi %add3A_417, %select_n3A_438 : vector<16xi32>
      %select_n3A_440 = arith.select %gt3A_437, %get3A_436, %broadcast_in_dim3A_148 : vector<16xi1>, vector<16xi32>
      %add3A_441 = arith.addi %add3A_419, %select_n3A_440 : vector<16xi32>
      %add3A_442 = arith.addi %add3A_420, %get3A_436 : vector<16xi32>
      %get3A_443 = arith.constant 0 : i32
      %get3A_444 = arith.index_cast %scan3A_331 : i32 to index
      %get3A_445 = arith.index_cast %get3A_443 : i32 to index
      %get3A_446 = arith.constant 80 : index
      %get3A_447 = tpu.vector_load %arg5[%get3A_444, %get3A_445, %get3A_446] {strides = array<i32>} : memref<144x2x128xf32, #tpu.memory_space<vmem>>, vector<16xf32>,
      %get3A_448 = arith.constant 1 : i32
      %get3A_449 = arith.index_cast %scan3A_331 : i32 to index
      %get3A_450 = arith.index_cast %get3A_448 : i32 to index
      %get3A_451 = arith.constant 80 : index
      %get3A_452 = tpu.vector_load %arg5[%get3A_449, %get3A_450, %get3A_451] {strides = array<i32>} : memref<144x2x128xf32, #tpu.memory_space<vmem>>, vector<16xf32>,
      %mul3A_453 = arith.constant 128 : i32
      %mul3A_454 = arith.muli %scan3A_331, %mul3A_453 : i32
      %add3A_455 = arith.constant 80 : i32
      %add3A_456 = arith.addi %mul3A_454, %add3A_455 : i32
      %get3A_457 = arith.index_cast %add3A_456 : i32 to index
      %get3A_458 = tpu.vector_load %arg6[%get3A_457] {strides = array<i32>} : memref<18432xi32, #tpu.memory_space<vmem>>, vector<16xi32>,
      %gt3A_459 = arith.cmpf ogt, %get3A_452, %get3A_447 : vector<16xf32>
      %select_n3A_460 = arith.select %gt3A_459, %broadcast_in_dim3A_150, %broadcast_in_dim3A_148 : vector<16xi1>, vector<16xi32>
      %add3A_461 = arith.addi %add3A_439, %select_n3A_460 : vector<16xi32>
      %select_n3A_462 = arith.select %gt3A_459, %get3A_458, %broadcast_in_dim3A_148 : vector<16xi1>, vector<16xi32>
      %add3A_463 = arith.addi %add3A_441, %select_n3A_462 : vector<16xi32>
      %add3A_464 = arith.addi %add3A_442, %get3A_458 : vector<16xi32>
      %get3A_465 = arith.constant 0 : i32
      %get3A_466 = arith.index_cast %scan3A_331 : i32 to index
      %get3A_467 = arith.index_cast %get3A_465 : i32 to index
      %get3A_468 = arith.constant 96 : index
      %get3A_469 = tpu.vector_load %arg5[%get3A_466, %get3A_467, %get3A_468] {strides = array<i32>} : memref<144x2x128xf32, #tpu.memory_space<vmem>>, vector<16xf32>,
      %get3A_470 = arith.constant 1 : i32
      %get3A_471 = arith.index_cast %scan3A_331 : i32 to index
      %get3A_472 = arith.index_cast %get3A_470 : i32 to index
      %get3A_473 = arith.constant 96 : index
      %get3A_474 = tpu.vector_load %arg5[%get3A_471, %get3A_472, %get3A_473] {strides = array<i32>} : memref<144x2x128xf32, #tpu.memory_space<vmem>>, vector<16xf32>,
      %mul3A_475 = arith.constant 128 : i32
      %mul3A_476 = arith.muli %scan3A_331, %mul3A_475 : i32
      %add3A_477 = arith.constant 96 : i32
      %add3A_478 = arith.addi %mul3A_476, %add3A_477 : i32
      %get3A_479 = arith.index_cast %add3A_478 : i32 to index
      %get3A_480 = tpu.vector_load %arg6[%get3A_479] {strides = array<i32>} : memref<18432xi32, #tpu.memory_space<vmem>>, vector<16xi32>,
      %gt3A_481 = arith.cmpf ogt, %get3A_474, %get3A_469 : vector<16xf32>
      %select_n3A_482 = arith.select %gt3A_481, %broadcast_in_dim3A_150, %broadcast_in_dim3A_148 : vector<16xi1>, vector<16xi32>
      %add3A_483 = arith.addi %add3A_461, %select_n3A_482 : vector<16xi32>
      %select_n3A_484 = arith.select %gt3A_481, %get3A_480, %broadcast_in_dim3A_148 : vector<16xi1>, vector<16xi32>
      %add3A_485 = arith.addi %add3A_463, %select_n3A_484 : vector<16xi32>
      %add3A_486 = arith.addi %add3A_464, %get3A_480 : vector<16xi32>
      %get3A_487 = arith.constant 0 : i32
      %get3A_488 = arith.index_cast %scan3A_331 : i32 to index
      %get3A_489 = arith.index_cast %get3A_487 : i32 to index
      %get3A_490 = arith.constant 112 : index
      %get3A_491 = tpu.vector_load %arg5[%get3A_488, %get3A_489, %get3A_490] {strides = array<i32>} : memref<144x2x128xf32, #tpu.memory_space<vmem>>, vector<16xf32>,
      %get3A_492 = arith.constant 1 : i32
      %get3A_493 = arith.index_cast %scan3A_331 : i32 to index
      %get3A_494 = arith.index_cast %get3A_492 : i32 to index
      %get3A_495 = arith.constant 112 : index
      %get3A_496 = tpu.vector_load %arg5[%get3A_493, %get3A_494, %get3A_495] {strides = array<i32>} : memref<144x2x128xf32, #tpu.memory_space<vmem>>, vector<16xf32>,
      %mul3A_497 = arith.constant 128 : i32
      %mul3A_498 = arith.muli %scan3A_331, %mul3A_497 : i32
      %add3A_499 = arith.constant 112 : i32
      %add3A_500 = arith.addi %mul3A_498, %add3A_499 : i32
      %get3A_501 = arith.index_cast %add3A_500 : i32 to index
      %get3A_502 = tpu.vector_load %arg6[%get3A_501] {strides = array<i32>} : memref<18432xi32, #tpu.memory_space<vmem>>, vector<16xi32>,
      %gt3A_503 = arith.cmpf ogt, %get3A_496, %get3A_491 : vector<16xf32>
      %select_n3A_504 = arith.select %gt3A_503, %broadcast_in_dim3A_150, %broadcast_in_dim3A_148 : vector<16xi1>, vector<16xi32>
      %add3A_505 = arith.addi %add3A_483, %select_n3A_504 : vector<16xi32>
      %select_n3A_506 = arith.select %gt3A_503, %get3A_502, %broadcast_in_dim3A_148 : vector<16xi1>, vector<16xi32>
      %add3A_507 = arith.addi %add3A_485, %select_n3A_506 : vector<16xi32>
      %add3A_508 = arith.addi %add3A_486, %get3A_502 : vector<16xi32>
      scf.yield %add3A_507, %add3A_505, %add3A_508 : vector<16xi32>, vector<16xi32>, vector<16xi32>
    }
    %scan3A_304 = arith.constant 24 : i32
    %reduce_sum3A = arith.constant true
    %reduce_sum3A_305 = vector.broadcast %reduce_sum3A : i1 to vector<16xi1>
    %reduce_sum3A_306 = tpu.scan <sum>, %scan3A_303#0 masked %reduce_sum3A_305 : vector<16xi32>, vector<16xi1> -> vector<16xi32>
    %reduce_sum3A_307 = vector.extract %reduce_sum3A_306[15] : i32 from vector<16xi32>
    %reduce_sum3A_308 = arith.constant true
    %reduce_sum3A_309 = vector.broadcast %reduce_sum3A_308 : i1 to vector<16xi1>
    %reduce_sum3A_310 = tpu.scan <sum>, %scan3A_303#1 masked %reduce_sum3A_309 : vector<16xi32>, vector<16xi1> -> vector<16xi32>
    %reduce_sum3A_311 = vector.extract %reduce_sum3A_310[15] : i32 from vector<16xi32>
    %reduce_sum3A_312 = arith.constant true
    %reduce_sum3A_313 = vector.broadcast %reduce_sum3A_312 : i1 to vector<16xi1>
    %reduce_sum3A_314 = tpu.scan <sum>, %scan3A_303#2 masked %reduce_sum3A_313 : vector<16xi32>, vector<16xi1> -> vector<16xi32>
    %reduce_sum3A_315 = vector.extract %reduce_sum3A_314[15] : i32 from vector<16xi32>
    %eq3A = arith.constant 0 : i32
    %eq3A_316 = vector.broadcast %eq3A : i32 to vector<16xi32>
    %eq3A_317 = arith.cmpi eq, %iota3A, %eq3A_316 : vector<16xi32>
    %eq3A_318 = arith.constant 1 : i32
    %eq3A_319 = vector.broadcast %eq3A_318 : i32 to vector<16xi32>
    %eq3A_320 = arith.cmpi eq, %iota3A, %eq3A_319 : vector<16xi32>
    %eq3A_321 = arith.constant 2 : i32
    %eq3A_322 = vector.broadcast %eq3A_321 : i32 to vector<16xi32>
    %eq3A_323 = arith.cmpi eq, %iota3A, %eq3A_322 : vector<16xi32>
    %jit3A = arith.constant 0 : i32
    %broadcast_in_dim3A_324 = vector.broadcast %reduce_sum3A_315 : i32 to vector<16xi32>
    %broadcast_in_dim3A_325 = vector.broadcast %jit3A : i32 to vector<16xi32>
    %select_n3A = arith.select %eq3A_323, %broadcast_in_dim3A_324, %broadcast_in_dim3A_325 : vector<16xi1>, vector<16xi32>
    %broadcast_in_dim3A_326 = vector.broadcast %reduce_sum3A_311 : i32 to vector<16xi32>
    %select_n3A_327 = arith.select %eq3A_320, %broadcast_in_dim3A_326, %select_n3A : vector<16xi1>, vector<16xi32>
    %broadcast_in_dim3A_328 = vector.broadcast %reduce_sum3A_307 : i32 to vector<16xi32>
    %select_n3A_329 = arith.select %eq3A_317, %broadcast_in_dim3A_328, %select_n3A_327 : vector<16xi1>, vector<16xi32>
    %swap3A = arith.constant 0 : index
    %swap3A_330 = tpu.vector_load %arg7[%swap3A] {strides = array<i32>} : memref<16xi32, #tpu.memory_space<vmem>>, vector<16xi32>,
    tpu.vector_store %arg7[%swap3A], %select_n3A_329 {strides = array<i32>} : memref<16xi32, #tpu.memory_space<vmem>>, vector<16xi32>,
    "tpu.region"() ({
      %run_scoped3A = tpu.sem_alloc : memref<!tpu.dma_semaphore, #tpu.memory_space<semaphore_mem>>
      %dma_start3A_331 = arith.constant 0 : i32
      %dma_start3A_332 = tpu.memref_slice %arg4[%add3A, %dma_start3A_331] : memref<32x16xi32, #tpu.memory_space<hbm>> -> memref<1x16xi32, #tpu.memory_space<hbm>>
      %dma_start3A_333 = tpu.memref_squeeze %dma_start3A_332 : memref<1x16xi32, #tpu.memory_space<hbm>> -> memref<16xi32, #tpu.memory_space<hbm>>
      %dma_start3A_334 = arith.constant 0 : i32
      %dma_start3A_335 = tpu.memref_slice %arg4[%add3A, %dma_start3A_334] : memref<32x16xi32, #tpu.memory_space<hbm>> -> memref<1x16xi32, #tpu.memory_space<hbm>>
      %dma_start3A_336 = tpu.memref_squeeze %dma_start3A_335 : memref<1x16xi32, #tpu.memory_space<hbm>> -> memref<16xi32, #tpu.memory_space<hbm>>
      tpu.enqueue_dma source(%arg7 : memref<16xi32, #tpu.memory_space<vmem>>) target(%dma_start3A_336 : memref<16xi32, #tpu.memory_space<hbm>>) target_semaphore(%run_scoped3A : memref<!tpu.dma_semaphore, #tpu.memory_space<semaphore_mem>>)
      %dma_wait3A_337 = arith.constant 0 : i32
      %dma_wait3A_338 = tpu.memref_slice %arg4[%add3A, %dma_wait3A_337] : memref<32x16xi32, #tpu.memory_space<hbm>> -> memref<1x16xi32, #tpu.memory_space<hbm>>
      %dma_wait3A_339 = tpu.memref_squeeze %dma_wait3A_338 : memref<1x16xi32, #tpu.memory_space<hbm>> -> memref<16xi32, #tpu.memory_space<hbm>>
      %dma_wait3A_340 = arith.constant 0 : i32
      %dma_wait3A_341 = tpu.memref_slice %arg4[%add3A, %dma_wait3A_340] : memref<32x16xi32, #tpu.memory_space<hbm>> -> memref<1x16xi32, #tpu.memory_space<hbm>>
      %dma_wait3A_342 = tpu.memref_squeeze %dma_wait3A_341 : memref<1x16xi32, #tpu.memory_space<hbm>> -> memref<16xi32, #tpu.memory_space<hbm>>
      tpu.wait_dma2 semaphore(%run_scoped3A : memref<!tpu.dma_semaphore, #tpu.memory_space<semaphore_mem>>) src(%arg7 : memref<16xi32, #tpu.memory_space<vmem>>) dst(%dma_wait3A_342 : memref<16xi32, #tpu.memory_space<hbm>>)
      tpu.yield
    }) : () -> ()
    return
  }
}

module attributes {stable_mosaic.version = 14 : i64} {
  func.func @body(%arg0: i32, %arg1: memref<1024x128xf32, #tpu.memory_space<vmem>>, %arg2: memref<512x128xi32, #tpu.memory_space<vmem>>, %arg3: memref<1x3xi32, #tpu.memory_space<smem>>) attributes {dimension_semantics = [#tpu.dimension_semantics<arbitrary>], iteration_bounds = array<i64: 7>, scalar_prefetch = 0 : i64, scratch_operands = 0 : i64, tpu.core_type = #tpu.core_type<tc>, window_params = [{transform_indices = @transform_0, window_bounds = array<i64: 1024, 128>}, {transform_indices = @transform_1, window_bounds = array<i64: 512, 128>}, {transform_indices = @transform_2, window_bounds = array<i64: 1, 3>}]} {
    %get3A = arith.constant 0 : index
    %get3A_0 = arith.constant 0 : index
    %get3A_1 = vector.load %arg1[%get3A, %get3A_0] : memref<1024x128xf32, #tpu.memory_space<vmem>>, vector<1024x128xf32>
    %roll3A = arith.constant 1023 : i32
    %roll3A_2 = tpu.dynamic_rotate %get3A_1 by %roll3A dim 0 : vector<1024x128xf32>, i32 -> vector<1024x128xf32>
    %iota3A = tpu.iota {dimensions = array<i32: 0>} : vector<1024x128xi32>
    %and3A = arith.constant 1 : i32
    %and3A_3 = vector.broadcast %and3A : i32 to vector<1024x128xi32>
    %and3A_4 = arith.andi %iota3A, %and3A_3 : vector<1024x128xi32>
    %eq3A = arith.constant 0 : i32
    %eq3A_5 = vector.broadcast %eq3A : i32 to vector<1024x128xi32>
    %eq3A_6 = arith.cmpi eq, %and3A_4, %eq3A_5 : vector<1024x128xi32>
    %gt3A = arith.cmpf ogt, %roll3A_2, %get3A_1 : vector<1024x128xf32>
    %and3A_7 = arith.andi %gt3A, %eq3A_6 : vector<1024x128xi1>
    %get3A_8 = arith.constant 0 : index
    %get3A_9 = arith.constant 0 : index
    %get3A_10 = vector.load %arg2[%get3A_8, %get3A_9] : memref<512x128xi32, #tpu.memory_space<vmem>>, vector<512x128xi32>
    %broadcast_in_dim3A = vector.shape_cast %get3A_10 : vector<512x128xi32> to vector<512x1x128xi32>
    %broadcast_in_dim3A_11 = vector.shape_cast %broadcast_in_dim3A : vector<512x1x128xi32> to vector<512x1x128xi32>
    %broadcast_in_dim3A_12 = vector.broadcast %broadcast_in_dim3A_11 : vector<512x1x128xi32> to vector<512x2x128xi32>
    %reshape3A = vector.shape_cast %broadcast_in_dim3A_12 : vector<512x2x128xi32> to vector<1024x128xi32>
    %broadcast_in_dim3A_13 = arith.constant 0 : i32
    %broadcast_in_dim3A_14 = vector.broadcast %broadcast_in_dim3A_13 : i32 to vector<1024x128xi32>
    %broadcast_in_dim3A_15 = arith.constant 1 : i32
    %broadcast_in_dim3A_16 = vector.broadcast %broadcast_in_dim3A_15 : i32 to vector<1024x128xi32>
    %select_n3A = arith.select %and3A_7, %broadcast_in_dim3A_16, %broadcast_in_dim3A_14 : vector<1024x128xi1>, vector<1024x128xi32>
    %reduce_sum3A = vector.shape_cast %select_n3A : vector<1024x128xi32> to vector<1x1024x128xi32>
    %reduce_sum3A_17 = arith.constant dense<0> : vector<1xi32>
    %reduce_sum3A_18 = vector.multi_reduction <add>, %reduce_sum3A, %reduce_sum3A_17 [1, 2] : vector<1x1024x128xi32> to vector<1xi32>
    %reduce_sum3A_19 = vector.shape_cast %reduce_sum3A_18 : vector<1xi32> to vector<1x1x1xi32>
    %reduce_sum3A_20 = vector.extract %reduce_sum3A_19[0, 0, 0] : i32 from vector<1x1x1xi32>
    %select_n3A_21 = arith.select %and3A_7, %reshape3A, %broadcast_in_dim3A_14 : vector<1024x128xi1>, vector<1024x128xi32>
    %reduce_sum3A_22 = vector.shape_cast %select_n3A_21 : vector<1024x128xi32> to vector<1x1024x128xi32>
    %reduce_sum3A_23 = arith.constant dense<0> : vector<1xi32>
    %reduce_sum3A_24 = vector.multi_reduction <add>, %reduce_sum3A_22, %reduce_sum3A_23 [1, 2] : vector<1x1024x128xi32> to vector<1xi32>
    %reduce_sum3A_25 = vector.shape_cast %reduce_sum3A_24 : vector<1xi32> to vector<1x1x1xi32>
    %reduce_sum3A_26 = vector.extract %reduce_sum3A_25[0, 0, 0] : i32 from vector<1x1x1xi32>
    %reduce_sum3A_27 = vector.shape_cast %get3A_10 : vector<512x128xi32> to vector<1x512x128xi32>
    %reduce_sum3A_28 = arith.constant dense<0> : vector<1xi32>
    %reduce_sum3A_29 = vector.multi_reduction <add>, %reduce_sum3A_27, %reduce_sum3A_28 [1, 2] : vector<1x512x128xi32> to vector<1xi32>
    %reduce_sum3A_30 = vector.shape_cast %reduce_sum3A_29 : vector<1xi32> to vector<1x1x1xi32>
    %reduce_sum3A_31 = vector.extract %reduce_sum3A_30[0, 0, 0] : i32 from vector<1x1x1xi32>
    %eq3A_32 = arith.constant 0 : i32
    %eq3A_33 = arith.cmpi eq, %arg0, %eq3A_32 : i32
    %convert_element_type3A = arith.extui %eq3A_33 : i1 to i32
    %cond3A = arith.constant 0 : i32
    %cond3A_34 = arith.cmpi ne, %convert_element_type3A, %cond3A : i32
    scf.if %cond3A_34 {
      %swap3A = arith.constant 0 : index
      %swap3A_39 = arith.constant 0 : index
      %swap3A_40 = memref.load %arg3[%swap3A, %swap3A_39] : memref<1x3xi32, #tpu.memory_space<smem>>
      memref.store %reduce_sum3A_26, %arg3[%swap3A, %swap3A_39] : memref<1x3xi32, #tpu.memory_space<smem>>
      %swap3A_41 = arith.constant 0 : index
      %swap3A_42 = arith.constant 1 : index
      %swap3A_43 = memref.load %arg3[%swap3A_41, %swap3A_42] : memref<1x3xi32, #tpu.memory_space<smem>>
      memref.store %reduce_sum3A_20, %arg3[%swap3A_41, %swap3A_42] : memref<1x3xi32, #tpu.memory_space<smem>>
      %swap3A_44 = arith.constant 0 : index
      %swap3A_45 = arith.constant 2 : index
      %swap3A_46 = memref.load %arg3[%swap3A_44, %swap3A_45] : memref<1x3xi32, #tpu.memory_space<smem>>
      memref.store %reduce_sum3A_31, %arg3[%swap3A_44, %swap3A_45] : memref<1x3xi32, #tpu.memory_space<smem>>
    } else {
    }
    %ne3A = arith.constant 0 : i32
    %ne3A_35 = arith.cmpi ne, %arg0, %ne3A : i32
    %convert_element_type3A_36 = arith.extui %ne3A_35 : i1 to i32
    %cond3A_37 = arith.constant 0 : i32
    %cond3A_38 = arith.cmpi ne, %convert_element_type3A_36, %cond3A_37 : i32
    scf.if %cond3A_38 {
      %get3A_39 = arith.constant 0 : index
      %get3A_40 = arith.constant 0 : index
      %get3A_41 = memref.load %arg3[%get3A_39, %get3A_40] : memref<1x3xi32, #tpu.memory_space<smem>>
      %add3A = arith.addi %get3A_41, %reduce_sum3A_26 : i32
      %swap3A = arith.constant 0 : index
      %swap3A_42 = arith.constant 0 : index
      %swap3A_43 = memref.load %arg3[%swap3A, %swap3A_42] : memref<1x3xi32, #tpu.memory_space<smem>>
      memref.store %add3A, %arg3[%swap3A, %swap3A_42] : memref<1x3xi32, #tpu.memory_space<smem>>
      %get3A_44 = arith.constant 0 : index
      %get3A_45 = arith.constant 1 : index
      %get3A_46 = memref.load %arg3[%get3A_44, %get3A_45] : memref<1x3xi32, #tpu.memory_space<smem>>
      %add3A_47 = arith.addi %get3A_46, %reduce_sum3A_20 : i32
      %swap3A_48 = arith.constant 0 : index
      %swap3A_49 = arith.constant 1 : index
      %swap3A_50 = memref.load %arg3[%swap3A_48, %swap3A_49] : memref<1x3xi32, #tpu.memory_space<smem>>
      memref.store %add3A_47, %arg3[%swap3A_48, %swap3A_49] : memref<1x3xi32, #tpu.memory_space<smem>>
      %get3A_51 = arith.constant 0 : index
      %get3A_52 = arith.constant 2 : index
      %get3A_53 = memref.load %arg3[%get3A_51, %get3A_52] : memref<1x3xi32, #tpu.memory_space<smem>>
      %add3A_54 = arith.addi %get3A_53, %reduce_sum3A_31 : i32
      %swap3A_55 = arith.constant 0 : index
      %swap3A_56 = arith.constant 2 : index
      %swap3A_57 = memref.load %arg3[%swap3A_55, %swap3A_56] : memref<1x3xi32, #tpu.memory_space<smem>>
      memref.store %add3A_54, %arg3[%swap3A_55, %swap3A_56] : memref<1x3xi32, #tpu.memory_space<smem>>
    } else {
    }
    return
  }
  func.func @transform_0(%arg0: i32) -> (i32, i32) {
    %add3A = arith.constant 9 : i32
    %add3A_0 = arith.addi %add3A, %arg0 : i32
    %c0_i32 = arith.constant 0 : i32
    %c0_i32_1 = arith.constant 0 : i32
    return %add3A_0, %c0_i32 : i32, i32
  }
  func.func @transform_1(%arg0: i32) -> (i32, i32) {
    %add3A = arith.constant 9 : i32
    %add3A_0 = arith.addi %add3A, %arg0 : i32
    %c0_i32 = arith.constant 0 : i32
    %c0_i32_1 = arith.constant 0 : i32
    return %add3A_0, %c0_i32 : i32, i32
  }
  func.func @transform_2(%arg0: i32) -> (i32, i32) {
    %c0_i32 = arith.constant 0 : i32
    %c0_i32_0 = arith.constant 0 : i32
    %c0_i32_1 = arith.constant 0 : i32
    return %c0_i32, %c0_i32_0 : i32, i32
  }
}

module attributes {stable_mosaic.version = 14 : i64} {
  func.func @fin(%arg0: memref<32x16xi32, #tpu.memory_space<vmem>>, %arg1: memref<1x3xi32, #tpu.memory_space<smem>>, %arg2: memref<1x1xf32, #tpu.memory_space<smem>>) attributes {dimension_semantics = [], scalar_prefetch = 0 : i64, scratch_operands = 0 : i64, tpu.core_type = #tpu.core_type<tc>} {
    %get3A = arith.constant 0 : index
    %get3A_0 = arith.constant 0 : index
    %get3A_1 = vector.load %arg0[%get3A, %get3A_0] : memref<32x16xi32, #tpu.memory_space<vmem>>, vector<32x16xi32>
    %iota3A = tpu.iota {dimensions = array<i32: 1>} : vector<32x16xi32>
    %broadcast_in_dim3A = arith.constant 0 : i32
    %broadcast_in_dim3A_2 = vector.broadcast %broadcast_in_dim3A : i32 to vector<32x16xi32>
    %eq3A = arith.constant 0 : i32
    %eq3A_3 = vector.broadcast %eq3A : i32 to vector<32x16xi32>
    %eq3A_4 = arith.cmpi eq, %iota3A, %eq3A_3 : vector<32x16xi32>
    %select_n3A = arith.select %eq3A_4, %get3A_1, %broadcast_in_dim3A_2 : vector<32x16xi1>, vector<32x16xi32>
    %reduce_sum3A = vector.shape_cast %select_n3A : vector<32x16xi32> to vector<1x32x16xi32>
    %reduce_sum3A_5 = arith.constant dense<0> : vector<1xi32>
    %reduce_sum3A_6 = vector.multi_reduction <add>, %reduce_sum3A, %reduce_sum3A_5 [1, 2] : vector<1x32x16xi32> to vector<1xi32>
    %reduce_sum3A_7 = vector.shape_cast %reduce_sum3A_6 : vector<1xi32> to vector<1x1x1xi32>
    %reduce_sum3A_8 = vector.extract %reduce_sum3A_7[0, 0, 0] : i32 from vector<1x1x1xi32>
    %get3A_9 = arith.constant 0 : index
    %get3A_10 = arith.constant 0 : index
    %get3A_11 = memref.load %arg1[%get3A_9, %get3A_10] : memref<1x3xi32, #tpu.memory_space<smem>>
    %add3A = arith.addi %reduce_sum3A_8, %get3A_11 : i32
    %convert_element_type3A = arith.sitofp %add3A : i32 to f32
    %eq3A_12 = arith.constant 1 : i32
    %eq3A_13 = vector.broadcast %eq3A_12 : i32 to vector<32x16xi32>
    %eq3A_14 = arith.cmpi eq, %iota3A, %eq3A_13 : vector<32x16xi32>
    %select_n3A_15 = arith.select %eq3A_14, %get3A_1, %broadcast_in_dim3A_2 : vector<32x16xi1>, vector<32x16xi32>
    %reduce_sum3A_16 = vector.shape_cast %select_n3A_15 : vector<32x16xi32> to vector<1x32x16xi32>
    %reduce_sum3A_17 = arith.constant dense<0> : vector<1xi32>
    %reduce_sum3A_18 = vector.multi_reduction <add>, %reduce_sum3A_16, %reduce_sum3A_17 [1, 2] : vector<1x32x16xi32> to vector<1xi32>
    %reduce_sum3A_19 = vector.shape_cast %reduce_sum3A_18 : vector<1xi32> to vector<1x1x1xi32>
    %reduce_sum3A_20 = vector.extract %reduce_sum3A_19[0, 0, 0] : i32 from vector<1x1x1xi32>
    %get3A_21 = arith.constant 0 : index
    %get3A_22 = arith.constant 1 : index
    %get3A_23 = memref.load %arg1[%get3A_21, %get3A_22] : memref<1x3xi32, #tpu.memory_space<smem>>
    %add3A_24 = arith.addi %reduce_sum3A_20, %get3A_23 : i32
    %convert_element_type3A_25 = arith.sitofp %add3A_24 : i32 to f32
    %eq3A_26 = arith.constant 2 : i32
    %eq3A_27 = vector.broadcast %eq3A_26 : i32 to vector<32x16xi32>
    %eq3A_28 = arith.cmpi eq, %iota3A, %eq3A_27 : vector<32x16xi32>
    %select_n3A_29 = arith.select %eq3A_28, %get3A_1, %broadcast_in_dim3A_2 : vector<32x16xi1>, vector<32x16xi32>
    %reduce_sum3A_30 = vector.shape_cast %select_n3A_29 : vector<32x16xi32> to vector<1x32x16xi32>
    %reduce_sum3A_31 = arith.constant dense<0> : vector<1xi32>
    %reduce_sum3A_32 = vector.multi_reduction <add>, %reduce_sum3A_30, %reduce_sum3A_31 [1, 2] : vector<1x32x16xi32> to vector<1xi32>
    %reduce_sum3A_33 = vector.shape_cast %reduce_sum3A_32 : vector<1xi32> to vector<1x1x1xi32>
    %reduce_sum3A_34 = vector.extract %reduce_sum3A_33[0, 0, 0] : i32 from vector<1x1x1xi32>
    %get3A_35 = arith.constant 0 : index
    %get3A_36 = arith.constant 2 : index
    %get3A_37 = memref.load %arg1[%get3A_35, %get3A_36] : memref<1x3xi32, #tpu.memory_space<smem>>
    %add3A_38 = arith.addi %reduce_sum3A_34, %get3A_37 : i32
    %convert_element_type3A_39 = arith.sitofp %add3A_38 : i32 to f32
    %sub3A = arith.subf %convert_element_type3A_25, %convert_element_type3A : f32
    %sub3A_40 = arith.subf %convert_element_type3A_39, %convert_element_type3A : f32
    %add3A_41 = arith.addf %convert_element_type3A, %sub3A : f32
    %add3A_42 = arith.constant 1.000000e-10 : f32
    %add3A_43 = arith.addf %add3A_41, %add3A_42 : f32
    %div3A = arith.divf %convert_element_type3A, %add3A_43 : f32
    %add3A_44 = arith.addf %convert_element_type3A, %sub3A_40 : f32
    %add3A_45 = arith.constant 1.000000e-10 : f32
    %add3A_46 = arith.addf %add3A_44, %add3A_45 : f32
    %div3A_47 = arith.divf %convert_element_type3A, %add3A_46 : f32
    %mul3A = arith.constant 2.000000e+00 : f32
    %mul3A_48 = arith.mulf %mul3A, %div3A : f32
    %mul3A_49 = arith.mulf %mul3A_48, %div3A_47 : f32
    %add3A_50 = arith.addf %div3A, %div3A_47 : f32
    %add3A_51 = arith.constant 1.000000e-10 : f32
    %add3A_52 = arith.addf %add3A_50, %add3A_51 : f32
    %div3A_53 = arith.divf %mul3A_49, %add3A_52 : f32
    %swap3A = arith.constant 0 : index
    %swap3A_54 = arith.constant 0 : index
    %swap3A_55 = memref.load %arg2[%swap3A, %swap3A_54] : memref<1x1xf32, #tpu.memory_space<smem>>
    memref.store %div3A_53, %arg2[%swap3A, %swap3A_54] : memref<1x1xf32, #tpu.memory_space<smem>>
    return
  }
}

</mosaic_0001>

<sc_bundles>
// kernel: kernel.5.cloned.1.call-start
scs
__scs_entry_jumppad:
0x0: {  	(pc) =	sbr.rel $0x88, $3  }
0x1: {  	(tag) =	ssettag $0x0;
	lr =	simm.s32 $0x1  }
0x2: {  	[smem:$0x3F9F] =	sst lr;
	_ =	strace $0xD0000000  }
0x3: {  	_ = 	snop  }
0x4: {  	_ = 	snop  }
0x5: {  	_ = 	snop  }
0x6: {  	_ = 	snop  }
0x7: {  	_ = 	snop  }
__scs_overlays_trampoline_lowered:
0x8: {  	[smem:$0x3FAE] =	sst s0  }
0x9: {  	[smem:$0x3FAF] =	sst s1  }
0xa: {  	[smem:$0x3FB0] =	sst s2  }
0xb: {  	[smem:$0x3FB1] =	sst s3  }
0xc: {  	[smem:$0x3FB2] =	sst s4  }
0xd: {  	[smem:$0x3FB3] =	sst s5  }
0xe: {  	[smem:$0x3FB4] =	sst s6  }
0xf: {  	[smem:$0x3FB5] =	sst s7  }
0x10: {  	[smem:$0x3FB6] =	sst s8  }
0x11: {  	[smem:$0x3FB7] =	sst s9;
	s0 =	simm.s32 @!p0 $0x0  }
0x12: {  	s1 =	sld [smem:$0x3F9D];
	s0 =	simm.s32 @p0 $0x1  }
0x13: {  	[smem:$0x3FB8] =	sst s0;
	s0 =	simm.s32 @!p1 $0x0  }
0x14: {  	s2 =	sld [smem:$0x3F9C];
	s0 =	simm.s32 @p1 $0x1  }
0x15: {  	[smem:$0x3FB9] =	sst s0;
	s0 =	simm.s32 @!p2 $0x0  }
0x16: {  	s3 =	sld [smem:$0x3FDB];
	s0 =	simm.s32 @p2 $0x1  }
0x17: {  	s4 =	simm.s32 $0x1BF5;
	[smem:$0x3FBB] =	sst s0  }
0x18: {  	s0 =	sld [smem:$0x3F9E];
	_ =	swait.ge [sflag:s4], $0x0  }
0x19: {  	s7 =	sld [smem:$0x3F9F]  }
0x1a: {  	s8 =	sadd.s32 $0xFFFFE003, lr  }
0x1b: {  	s9 =	sadd.s32 $0xFFFFFEF7, lr;
	s5 =	simm.s32 $0xFFFFFFFF;
	p2 =	slt.u32 s8, $0xFFFFF086  }
0x1c: {  	p1 =	slt.u32 s9, $0xF7A;
	s5 =	simm.s32 @!p2 $0x0  }
0x1d: {  	s5 =	simm.s32 @p1 $0x1;
	p0 =	seq.s32 s7, s2  }
0x1e: {  	s7 =	smul.u32 @!p0 $0xF7A, s2;
	p2 =	seq.s32 @!p0 s5, $0x0  }
0x1f: {  	s9 =	smul.u32 $0xF7A, s1;
	s8 =	simm.s32 @!p0 $0x1BF5;
	p2 =	por !p2, p0  }
0x20: {  	[sflag:s8] =	ssyncset.s32 @!p0 $0xFFFFF086;
	s6 =	sadd.s32 @!p0 s3, s7;
	s7 =	simm.s32 @!p0 $0x108  }
0x21: {  	s3 =	sadd.s32 s3, s9;
	s6 =	sadd.s32 @!p0 $0x88, s6;
	s7 =	simm.s32 @p2 $0x1082  }
0x22: {  	[simem:s7], [sflag:s8] =	dma.local @!p0 [hbm:s6], $0xF7A  }
0x23: {  	s9 =	sor.u32 $0xD0000000, s2;
	s6 =	simm.s32 $0x108;
	_ =	swait.ge @!p0 [sflag:s8], $0x0  }
0x24: {  	s3 =	sadd.s32 $0x88, s3;
	s6 =	simm.s32 @!p1 $0x1082;
	[sflag:s4] =	ssyncset.s32 $0xFFFFF086  }
0x25: {  	[simem:s6], [sflag:s4] =	dma.local [hbm:s3], $0xF7A  }
0x26: {  	[smem:$0x3F9F] =	sst s1;
	(tag) =	ssettag s2;
	_ =	strace s9  }
0x27: {  	s1 =	sld [smem:$0x3FAF]  }
0x28: {  	s2 =	sld [smem:$0x3FB0]  }
0x29: {  	s4 =	sld [smem:$0x3FB2]  }
0x2a: {  	p0 =	seq.s32 s5, $0x0;
	s5 =	sld [smem:$0x3FB3]  }
0x2b: {  	s6 =	sld [smem:$0x3FB4]  }
0x2c: {  	s7 =	sld [smem:$0x3FB5]  }
0x2d: {  	s3 =	simm.s32 $0x108;
	s8 =	sld [smem:$0x3FB6]  }
0x2e: {  	s3 =	simm.s32 @!p0 $0x1082;
	s9 =	sld [smem:$0x3FB7]  }
0x2f: {  	lr =	sadd.s32 s0, s3;
	s0 =	sld [smem:$0x3FAE]  }
0x30: {  	s3 =	sld [smem:$0x3FB1]  }
0x31: {  	[smem:$0x3FBA] =	sst s10  }
0x32: {  	s10 =	sld [smem:$0x3FB8];
	_ =	sdelay $0x3  }
0x33: {  	p0 =	seq.s32 s10, $0x1;
	s10 =	sld [smem:$0x3FBA];
	_ =	sdelay $0x3  }
0x34: {  	[smem:$0x3FBA] =	sst s10  }
0x35: {  	s10 =	sld [smem:$0x3FB9];
	_ =	sdelay $0x3  }
0x36: {  	p1 =	seq.s32 s10, $0x1;
	s10 =	sld [smem:$0x3FBA];
	_ =	sdelay $0x3  }
0x37: {  	[smem:$0x3FBA] =	sst s10  }
0x38: {  	s10 =	sld [smem:$0x3FBB]  }
0x39: {  	_ = 	snop;
	(pc) =	sbr.ind lr, $3  }
0x3a: {  	_ = 	snop  }
0x3b: {  	_ = 	snop  }
0x3c: {  	p2 =	seq.s32 s10, $0x1;
	s10 =	sld [smem:$0x3FBA]  }
0x3d: {  	_ =	shalt  }
0x3e: {  	_ =	shalt  }
0x3f: {  	_ =	shalt  }
0x40: {  	_ =	shalt  }
0x41: {  	_ =	shalt  }
0x42: {  	_ =	shalt  }
0x43: {  	_ =	shalt  }
0x44: {  	_ =	shalt  }
0x45: {  	_ =	shalt  }
0x46: {  	_ =	shalt  }
0x47: {  	_ =	shalt  }
0x48: {  	_ =	shalt  }
0x49: {  	_ =	shalt  }
0x4a: {  	_ =	shalt  }
0x4b: {  	_ =	shalt  }
0x4c: {  	_ =	shalt  }
0x4d: {  	_ =	shalt  }
0x4e: {  	_ =	shalt  }
0x4f: {  	_ =	shalt  }
0x50: {  	_ =	shalt  }
0x51: {  	_ =	shalt  }
0x52: {  	_ =	shalt  }
0x53: {  	_ =	shalt  }
0x54: {  	_ =	shalt  }
0x55: {  	_ =	shalt  }
0x56: {  	_ =	shalt  }
0x57: {  	_ =	shalt  }
0x58: {  	_ =	shalt  }
0x59: {  	_ =	shalt  }
0x5a: {  	_ =	shalt  }
0x5b: {  	_ =	shalt  }
0x5c: {  	_ =	shalt  }
0x5d: {  	_ =	shalt  }
0x5e: {  	_ =	shalt  }
0x5f: {  	_ =	shalt  }
0x60: {  	_ =	shalt  }
0x61: {  	_ =	shalt  }
0x62: {  	_ =	shalt  }
0x63: {  	_ =	shalt  }
0x64: {  	_ =	shalt  }
0x65: {  	_ =	shalt  }
0x66: {  	_ =	shalt  }
0x67: {  	_ =	shalt  }
0x68: {  	_ =	shalt  }
0x69: {  	_ =	shalt  }
0x6a: {  	_ =	shalt  }
0x6b: {  	_ =	shalt  }
0x6c: {  	_ =	shalt  }
0x6d: {  	_ =	shalt  }
0x6e: {  	_ =	shalt  }
0x6f: {  	_ =	shalt  }
0x70: {  	_ =	shalt  }
0x71: {  	_ =	shalt  }
0x72: {  	_ =	shalt  }
0x73: {  	_ =	shalt  }
0x74: {  	_ =	shalt  }
0x75: {  	_ =	shalt  }
0x76: {  	_ =	shalt  }
0x77: {  	_ =	shalt  }
0x78: {  	_ =	shalt  }
0x79: {  	_ =	shalt  }
0x7a: {  	_ =	shalt  }
0x7b: {  	_ =	shalt  }
0x7c: {  	_ =	shalt  }
0x7d: {  	_ =	shalt  }
0x7e: {  	_ =	shalt  }
0x7f: {  	_ =	shalt  }
0x80: {  	_ =	shalt  }
0x81: {  	_ =	shalt  }
0x82: {  	_ =	shalt  }
0x83: {  	_ =	shalt  }
0x84: {  	_ =	shalt  }
0x85: {  	_ =	shalt  }
0x86: {  	_ =	shalt  }
0x87: {  	_ =	shalt  }
.Lfunc_end0:
.L_simem_size_0:
called_computation_lowered:
.L_overlay_start_0:
0x88: {  	s2 =	sld [smem:$0x3FD9]  }
0x89: {  	s3 =	sld [smem:$0x3FFE];
	_ =	sdelay $0x1  }
0x8a: {  	s1 =	srdreg.scid  }
0x8b: {  	s0 =	sand.u32 $0x1, s1  }
0x8c: {  	s17 =	sshll.u32 s0, $0xA;
	s2 =	sadd.s32 s3, s2  }
0x8d: {  	s2 =	sadd.s32 s2, s17  }
0x8e: {  	[smem:$0x3FC6] =	sst s2  }
0x8f: {  	_ = 	snop  }
0x90: {  	s2 =	sld [smem:$0x3FC9]  }
0x91: {  	s18 =	sld [smem:$0x3FC8];
	(tm) =	ssettm $0x1  }
0x92: {  	s4 =	sld [smem:$0x3FFB];
	_ =	sdelay $0x3  }
0x93: {  	_ =	strace s4  }
0x94: {  	s4 =	sld [smem:$0x3FFC];
	_ =	sdelay $0x3  }
0x95: {  	_ =	strace s4  }
0x96: {  	s4 =	sld [smem:$0x3FFD];
	_ =	sdelay $0x3  }
0x97: {  	_ =	strace s4  }
0x98: {  	_ =	strace $0x8FFFFFFF  }
0x99: {  	s19 =	sld [smem:$0x3FDB];
	_ =	sdelay $0x1  }
0x9a: {  	s5 =	simm.s32 $_scs_section_size  }
0x9b: {  	s6 =	simm.s32 $_size__tile_overlayer_lowered;
	s7 =	simm.s32 $_tile_overlayer_lowered  }
0x9c: {  	s22 =	simm.s32 $0x1BFF;
	s21 =	sshll.u32 s7, $0x1;
	s4 =	sadd.s32 s5, s19  }
0x9d: {  	s8 =	simm.s32 $0x0;
	s20 =	sshll.u32 s6, $0x1;
	s6 =	sadd.s32 s21, s4  }
0x9e: {  	[timem:s8], [sflag:s22] =	dma.local [hbm:s6], s20  }
0x9f: {  	_ =	swait.ge [sflag:s22], s20  }
0xa0: {  	s5 =	ssub.s32 $0x0, s20;
	[sflag:s22] =	ssyncset.done $0x0  }
0xa1: {  	[sflag:s22] =	ssyncadd.s32 s5;
	_ =	sdelay $0x1  }
0xa2: {  	s23 =	simm.s32 $0x1B8B  }
0xa3: {  	_ =	swait.ge [sflag:s23], $0x1  }
0xa4: {  	[sflag:s23] =	ssyncset.done $0x0  }
0xa5: {  	s25 =	simm.s32 $0x1B8E;
	s24 =	sld [smem:$0x3FFE];
	[sflag:s23] =	ssyncadd.s32 $0xFFFFFFFF  }
0xa6: {  	s26 =	simm.s32 $execute0_lowered;
	[smem:$0x3FD2] =	sst s25  }
0xa7: {  	s6 =	sshll.u32 s26, $0x1;
	_ =	strace $0x80000046;
	[dreg:$0x1] =	wrdreg $0xFFFFFFFF  }
0xa8: {  	s28 =	simm.s32 $_size_execute0_lowered;
	s4 =	sadd.s32 s4, s6;
	[dreg:$0x0] =	wrdreg $0x0  }
0xa9: {  	s6 =	sshll.u32 s28, $0x1;
	[dreg:$0x2] =	wrdreg s4  }
0xaa: {  	[dreg:$0x3] =	wrdreg s6  }
0xab: {  	[dreg:$0x4] =	wrdreg $0xC0  }
0xac: {  	_ =	task [dreg:s8], $0x5FFFF  }
0xad: {  	[dreg:$0x1] =	wrdreg $0xFFFFFFFF  }
0xae: {  	[dreg:$0x0] =	wrdreg $0x60  }
0xaf: {  	[dreg:$0x2] =	wrdreg s2  }
0xb0: {  	[dreg:$0x3] =	wrdreg s18  }
0xb1: {  	[dreg:$0x4] =	wrdreg s24  }
0xb2: {  	[dreg:$0x5] =	wrdreg $0x9  }
0xb3: {  	_ =	task.clear_ibuf [dreg:s8], $0x6FFFF;
	_ =	strace $0x90000046  }
0xb4: {  	s29 =	simm.s32 $0x9;
	_ =	strace $0x80000048  }
0xb5: {  	_ =	swait.ge [sflag:s29], $0x1  }
0xb6: {  	[sflag:s29] =	ssyncadd.s32 $0xFFFFFFFF  }
0xb7: {  	_ =	strace $0x90000048  }
0xb8: {  	_ =	sfence  }
0xb9: {  	s30 =	sld [smem:$0x0];
	_ =	sdelay $0x2  }
0xba: {  	s31 =	sshll.u32 s1, $0xD;
	s1 =	sshrl.u32 s1, $0x2  }
0xbb: {  	s3 =	sand.u32 $0x4000, s31;
	s1 =	sadd.s32 s1, s30  }
0xbc: {  	s0 =	sor.u32 s3, s0;
	s1 =	sshll.u32 s1, $0x11  }
0xbd: {  	s0 =	sor.u32 s1, s0  }
0xbe: {  	s0 =	sadd.s32 $0x8F2B, s0  }
0xbf: {  	[sflag:s0] =	ssyncadd.remote.s32 $0x1  }
0xc0: {  	_ =	sfence.sel $0xFFFF  }
0xc1: {  	[dreg:$0x0] =	wrdreg $0xFFFFFFFF;
	(pc) =	sbr.abs _section_cstart, $3  }
0xc2: {  	[dreg:$0x1] =	wrdreg $0xFFFFFFFF  }
0xc3: {  	_ =	task.clear_ibuf [dreg:s8], $0x2FFFF;
	_ =	strace $0x9FFFFFFF  }
0xc4: {  	(tm) =	ssettm $0x7FFFFFFF  }
0xc5: {  	_ =	shalt  }
tec
execute0_lowered:
.L_overlay_start_1:
0x0: {  	(tag) =	ssettag $0x1  }
0x1: {  	s0 =	rddreg [dreg:$0x0]  }
0x2: {  	s1 =	rddreg [dreg:$0x1];
	s2 =	srdreg.scid  }
0x3: {  	s5 =	stileid.u32;
	s3 =	rddreg [dreg:$0x2];
	s29 =	simm.s32 $0x1  }
0x4: {  	s30 =	simm.s32 $0x2;
	s31 =	simm.s32 $0x3;
	s17 =	simm.s32 $0x6  }
0x5: {  	s18 =	simm.s32 $0x7;
	s19 =	simm.s32 $0x8;
	s20 =	simm.s32 $0x9  }
0x6: {  	s21 =	simm.s32 $0xA;
	s4 =	sand.u32 $0x1, s2;
	s5 =	sshll.u32 s5, $0x1  }
0x7: {  	s22 =	simm.s32 $0xB;
	s2 =	simm.s32 $0x0;
	s5 =	sor.u32 s4, s5  }
0x8: {  	s23 =	simm.s32 $0xC;
	[smem:$0x7FF] =	sst s2;
	s6 =	smul.u32 $0x4800, s5  }
0x9: {  	s4 =	ssub.s32 $0x2, s4;
	s7 =	sshll.u32 s5, $0x4;
	s8 =	smul.u32 $0x9000, s5  }
0xa: {  	_ =	strace $0x80000047;
	s25 =	sshrl.u32 s4, $0x1;
	s5 =	smul.u32 $0x1200, s5  }
0xb: {  	s15 =	sadd.s32 s7, s3;
	s4 =	ssub.s32 s4, s25;
	s25 =	simm.s32 $0xD  }
0xc: {  	s6 =	sshrl.u32 s6, $0x3;
	s26 =	sshrl.u32 s8, $0x3;
	s15 =	sadd.s32 $0xA00, s15  }
0xd: {  	s16 =	smax.u32 s4, $0x1;
	s3 =	sadd.s32 s1, s6;
	s28 =	sadd.s32 s0, s26  }
0xe: {  	s0 =	sadd.s32 s0, s5;
	s1 =	simm.s32 $0x4;
	s26 =	simm.s32 $0x0  }
0xf: {  	[dreg:$0x4] =	wrdreg s0;
	s5 =	sadd.s32 $0x300, s28;
	s6 =	sadd.s32 $0x180, s3  }
0x10: {  	s7 =	sadd.s32 $0x600, s28;
	s8 =	sadd.s32 $0x300, s3;
	s9 =	sadd.s32 $0x900, s28  }
0x11: {  	v0 =	vimm.s32 $0x0;
	s10 =	sadd.s32 $0x480, s3;
	s11 =	sadd.s32 $0xC00, s28;
	s12 =	sadd.s32 $0x600, s3  }
0x12: {  	vm0 =	vcmask $0xB08;
	vm1 =	vcmask $0x3F08;
	vm2 =	vcmask $0x3F04;
	s13 =	sadd.s32 $0xF00, s28;
	s14 =	sadd.s32 $0x780, s3;
	s0 =	simm.s32 $0x5  }
.LBB2_1:
0x13: {  	s4 =	rddreg [dreg:$0x4]  }
0x14: {  	[tilespmem:s2], [sflag:$0x1] =	stream.linear.gather [hbm4b:s4+s2], $0x1800, $0x38;
	[tilespmem:$0xD880] =	vst v63  }
0x15: {  	s24 =	simm.s32 $0x9000  }
0x16: {  	[tilespmem:s24], [sflag:$0x2] =	stream.linear.gather [hbm4b:s3+s2], $0xC00, $0x38;
	[tilespmem:$0xD880] =	vst v63  }
0x17: {  	s24 =	simm.s32 $0x1800  }
0x18: {  	[tilespmem:s24], [sflag:$0x3] =	stream.linear.gather [hbm4b:s5+s2], $0x1800, $0x38;
	[tilespmem:$0xD880] =	vst v63  }
0x19: {  	s24 =	simm.s32 $0x9C00  }
0x1a: {  	[tilespmem:s24], [sflag:$0x4] =	stream.linear.gather [hbm4b:s6+s2], $0xC00, $0x38;
	[tilespmem:$0xD880] =	vst v63  }
0x1b: {  	s24 =	simm.s32 $0x3000  }
0x1c: {  	[tilespmem:s24], [sflag:$0x5] =	stream.linear.gather [hbm4b:s7+s2], $0x1800, $0x38;
	[tilespmem:$0xD880] =	vst v63  }
0x1d: {  	s24 =	simm.s32 $0xA800  }
0x1e: {  	[tilespmem:s24], [sflag:$0x6] =	stream.linear.gather [hbm4b:s8+s2], $0xC00, $0x38;
	[tilespmem:$0xD880] =	vst v63  }
0x1f: {  	s24 =	simm.s32 $0x4800  }
0x20: {  	[tilespmem:s24], [sflag:$0x7] =	stream.linear.gather [hbm4b:s9+s2], $0x1800, $0x38;
	[tilespmem:$0xD880] =	vst v63  }
0x21: {  	s24 =	simm.s32 $0xB400  }
0x22: {  	[tilespmem:s24], [sflag:$0x8] =	stream.linear.gather [hbm4b:s10+s2], $0xC00, $0x38;
	[tilespmem:$0xD880] =	vst v63  }
0x23: {  	s24 =	simm.s32 $0x6000  }
0x24: {  	[tilespmem:s24], [sflag:$0x9] =	stream.linear.gather [hbm4b:s11+s2], $0x1800, $0x38;
	[tilespmem:$0xD880] =	vst v63  }
0x25: {  	s24 =	simm.s32 $0xC000  }
0x26: {  	[tilespmem:s24], [sflag:$0xA] =	stream.linear.gather [hbm4b:s12+s2], $0xC00, $0x38;
	[tilespmem:$0xD880] =	vst v63  }
0x27: {  	s24 =	simm.s32 $0x7800  }
0x28: {  	[tilespmem:s24], [sflag:$0xB] =	stream.linear.gather [hbm4b:s13+s2], $0x1800, $0x38;
	[tilespmem:$0xD880] =	vst v63  }
0x29: {  	s24 =	simm.s32 $0xCC00  }
0x2a: {  	[tilespmem:s24], [sflag:$0xC] =	stream.linear.gather [hbm4b:s14+s2], $0xC00, $0x38;
	[tilespmem:$0xD880] =	vst v63  }
0x2b: {  	_ =	swait.ge [sflag:s29], $0x1800  }
0x2c: {  	[sflag:s29] =	ssyncset.done $0x0  }
0x2d: {  	[sflag:s29] =	ssyncadd.s32 $0xFFFFE800  }
0x2e: {  	_ =	swait.ge [sflag:s30], $0xC00  }
0x2f: {  	[sflag:s30] =	ssyncset.done $0x0  }
0x30: {  	s24 =	simm.s32 $0x80;
	[sflag:s30] =	ssyncadd.s32 $0xFFFFF400  }
0x31: {  	v1 =	vld [tilespmem:s24+$0xFFFFFFF0]  }
0x32: {  	s28 =	simm.s32 $0x0;
	v2 =	vld [tilespmem:s24+$0x70]  }
0x33: {  	v3 =	vld [tilespmem:s28+$0x9070]  }
0x34: {  	v4 =	vld [tilespmem:s24+$0xFFFFFFE0]  }
0x35: {  	v9 =	vld [tilespmem:s24+$0x60]  }
0x36: {  	v5 =	vld [tilespmem:s28+$0x9060]  }
0x37: {  	v10 =	vld [tilespmem:s24+$0xFFFFFFD0]  }
0x38: {  	v11 =	vld [tilespmem:s24+$0x50]  }
0x39: {  	v6 =	vld [tilespmem:s28+$0x9050]  }
0x3a: {  	v12 =	vld [tilespmem:s24+$0xFFFFFFC0]  }
0x3b: {  	v17 =	vld [tilespmem:s24+$0x40]  }
0x3c: {  	v18 =	vld [tilespmem:s24+$0xFFFFFFB0]  }
0x3d: {  	v19 =	vld [tilespmem:s24+$0x30]  }
0x3e: {  	v20 =	vld [tilespmem:s24+$0xFFFFFFA0]  }
0x3f: {  	v21 =	vld [tilespmem:s24+$0x20]  }
0x40: {  	v13 =	vld [tilespmem:s24+$0xFFFFFF90]  }
0x41: {  	v14 =	vld [tilespmem:s24+$0x10]  }
0x42: {  	v15 =	vld [tilespmem:s24+$0xFFFFFF80]  }
0x43: {  	v16 =	vld [tilespmem:s24+$0x0]  }
0x44: {  	v7 =	vld [tilespmem:s28+$0x9040]  }
0x45: {  	v8 =	vld [tilespmem:s28+$0x9030];
	vm5 =	vgt.f32 v11, v10;
	vm4 =	vgt.f32 v9, v4;
	vm3 =	vgt.f32 v2, v1  }
0x46: {  	v9 =	vld [tilespmem:s28+$0x9020];
	vm7 =	vgt.f32 v21, v20;
	vm8 =	vgt.f32 v19, v18;
	vm6 =	vgt.f32 v17, v12  }
0x47: {  	s4 =	simm.s32 $0x200;
	v12 =	vld [tilespmem:s28+$0x9010];
	v4 =	vimm.s32 $0x0;
	v11 =	vimm.s32 $0x0;
	v10 =	vimm.s32 $0x0  }
.LBB2_2:
0x48: {  	p0 =	sne.s32 s4, $0x2E00;
	v1 =	vld [tilespmem:s28+$0x9000];
	vm9 =	vgt.f32 v16, v15;
	vm10 =	vgt.f32 v14, v13;
	v2 =	vsel vm3, $0x1, v0;
	s24 =	sadd.s32 $0x100, s24  }
0x49: {  	v13 =	vsel vm4, $0x1, v0;
	v14 =	vnsel vm4, $0x0, v5;
	v15 =	vnsel vm3, $0x0, v3;
	v17 =	vld [tilespmem:s24+$0xFFFFFFF0]  }
0x4a: {  	s28 =	sshra.s32 s4, $0x2;
	v16 =	vsel vm6, $0x1, v0;
	v19 =	vsel vm5, $0x1, v0;
	v20 =	vnsel vm5, $0x0, v6;
	v18 =	vld [tilespmem:s24+$0x70]  }
0x4b: {  	v22 =	vsel vm8, $0x1, v0;
	v24 =	vnsel vm6, $0x0, v7;
	v23 =	vnsel vm8, $0x0, v8;
	v21 =	vld [tilespmem:s28+$0x9070]  }
0x4c: {  	v27 =	vsel vm7, $0x1, v0;
	v26 =	vsel vm10, $0x1, v0;
	v28 =	vnsel vm7, $0x0, v9;
	v25 =	vld [tilespmem:s24+$0xFFFFFFE0]  }
0x4d: {  	v30 =	vsel vm9, $0x1, v0;
	v32 =	vnsel vm10, $0x0, v12;
	v29 =	vld [tilespmem:s24+$0x60];
	v31 =	vnsel vm9, $0x0, v1  }
0x4e: {  	v4 =	vadd.s32 v30, v4;
	v1 =	vadd.s32 v10, v1;
	v33 =	vld [tilespmem:s28+$0x9060];
	v11 =	vadd.s32 v11, v31  }
0x4f: {  	v4 =	vadd.s32 v26, v4;
	v1 =	vadd.s32 v12, v1;
	v30 =	vld [tilespmem:s24+$0xFFFFFFD0];
	v10 =	vadd.s32 v32, v11  }
0x50: {  	v4 =	vadd.s32 v27, v4;
	v1 =	vadd.s32 v9, v1;
	v12 =	vld [tilespmem:s24+$0x50];
	v10 =	vadd.s32 v28, v10  }
0x51: {  	v4 =	vadd.s32 v22, v4;
	v1 =	vadd.s32 v8, v1;
	v9 =	vld [tilespmem:s28+$0x9050];
	v10 =	vadd.s32 v23, v10  }
0x52: {  	v4 =	vadd.s32 v16, v4;
	v1 =	vadd.s32 v7, v1;
	v22 =	vld [tilespmem:s24+$0xFFFFFFC0];
	v8 =	vadd.s32 v24, v10  }
0x53: {  	v4 =	vadd.s32 v19, v4;
	v1 =	vadd.s32 v6, v1;
	v23 =	vld [tilespmem:s24+$0x40];
	v7 =	vadd.s32 v20, v8  }
0x54: {  	v4 =	vadd.s32 v13, v4;
	v1 =	vadd.s32 v5, v1;
	v5 =	vmovc v33;
	v19 =	vld [tilespmem:s24+$0xFFFFFFB0];
	v7 =	vadd.s32 v14, v7  }
0x55: {  	v4 =	vadd.s32 v2, v4;
	v10 =	vadd.s32 v3, v1;
	v3 =	vmovc v21;
	v20 =	vld [tilespmem:s24+$0x30];
	v11 =	vadd.s32 v15, v7  }
0x56: {  	v1 =	vld [tilespmem:s24+$0xFFFFFFA0];
	v6 =	vmov v9  }
0x57: {  	v2 =	vld [tilespmem:s24+$0x20]  }
0x58: {  	v13 =	vld [tilespmem:s24+$0xFFFFFF90]  }
0x59: {  	v14 =	vld [tilespmem:s24+$0x10]  }
0x5a: {  	v15 =	vld [tilespmem:s24+$0xFFFFFF80]  }
.Ltmp0:
0x5b: {  	v16 =	vld [tilespmem:s24+$0x0];
	(pc) =	sbr.rel @p0 .LBB2_2-.Ltmp0, $4  }
0x5c: {  	v7 =	vld [tilespmem:s28+$0x9040]  }
0x5d: {  	v8 =	vld [tilespmem:s28+$0x9030]  }
0x5e: {  	vm3 =	vgt.f32 v18, v17;
	vm4 =	vgt.f32 v29, v25;
	vm5 =	vgt.f32 v12, v30;
	v9 =	vld [tilespmem:s28+$0x9020]  }
0x5f: {  	s4 =	sadd.s32 $0x200, s4;
	vm6 =	vgt.f32 v23, v22;
	vm8 =	vgt.f32 v20, v19;
	vm7 =	vgt.f32 v2, v1;
	v12 =	vld [tilespmem:s28+$0x9010]  }
0x60: {  	v17 =	vld [tilespmem:s28+$0x9000];
	_ =	swait.ge [sflag:s31], $0x1800  }
0x61: {  	[sflag:s31] =	ssyncset.done $0x0  }
0x62: {  	[sflag:s31] =	ssyncadd.s32 $0xFFFFE800  }
0x63: {  	_ =	swait.ge [sflag:s1], $0xC00  }
0x64: {  	[sflag:s1] =	ssyncset.done $0x0  }
0x65: {  	s28 =	simm.s32 $0x18F0;
	[sflag:s1] =	ssyncadd.s32 $0xFFFFF400  }
0x66: {  	v18 =	vld [tilespmem:s28+$0xFFFFFF80]  }
0x67: {  	s24 =	simm.s32 $0x0;
	v19 =	vld [tilespmem:s28+$0x0]  }
0x68: {  	v1 =	vld [tilespmem:s24+$0x9C70]  }
0x69: {  	v20 =	vld [tilespmem:s28+$0xFFFFFF70]  }
0x6a: {  	v21 =	vld [tilespmem:s28+$0xFFFFFFF0]  }
0x6b: {  	v2 =	vld [tilespmem:s24+$0x9C60]  }
0x6c: {  	vm9 =	vgt.f32 v16, v15;
	v22 =	vld [tilespmem:s28+$0xFFFFFF60]  }
0x6d: {  	v15 =	vsel vm9, $0x1, v0;
	v16 =	vnsel vm9, $0x0, v17;
	v23 =	vld [tilespmem:s28+$0xFFFFFFE0]  }
0x6e: {  	vm9 =	vgt.f32 v14, v13;
	v13 =	vadd.s32 v15, v4;
	v10 =	vadd.s32 v10, v17;
	v4 =	vld [tilespmem:s24+$0x9C50]  }
0x6f: {  	v11 =	vadd.s32 v11, v16;
	v14 =	vsel vm9, $0x1, v0;
	v15 =	vnsel vm9, $0x0, v12;
	v17 =	vld [tilespmem:s28+$0xFFFFFF50]  }
0x70: {  	v24 =	vld [tilespmem:s28+$0xFFFFFFD0];
	v10 =	vadd.s32 v12, v10;
	v13 =	vadd.s32 v14, v13;
	v14 =	vsel vm7, $0x1, v0  }
0x71: {  	v25 =	vld [tilespmem:s28+$0xFFFFFF40];
	v11 =	vadd.s32 v15, v11;
	v15 =	vnsel vm7, $0x0, v9;
	v9 =	vadd.s32 v9, v10  }
0x72: {  	v26 =	vld [tilespmem:s28+$0xFFFFFFC0];
	v12 =	vadd.s32 v14, v13;
	v13 =	vsel vm8, $0x1, v0;
	v14 =	vnsel vm8, $0x0, v8  }
0x73: {  	v27 =	vld [tilespmem:s28+$0xFFFFFF30];
	v11 =	vadd.s32 v15, v11;
	v8 =	vadd.s32 v8, v9;
	v10 =	vadd.s32 v13, v12  }
0x74: {  	v28 =	vld [tilespmem:s28+$0xFFFFFFB0];
	v11 =	vadd.s32 v14, v11;
	v12 =	vsel vm6, $0x1, v0;
	v13 =	vnsel vm6, $0x0, v7  }
0x75: {  	v16 =	vld [tilespmem:s28+$0xFFFFFF90];
	v7 =	vadd.s32 v7, v8;
	v9 =	vadd.s32 v12, v10;
	v10 =	vsel vm5, $0x1, v0  }
0x76: {  	v15 =	vld [tilespmem:s28+$0xFFFFFF10];
	v11 =	vadd.s32 v13, v11;
	v12 =	vnsel vm5, $0x0, v6;
	v6 =	vadd.s32 v6, v7  }
0x77: {  	v14 =	vld [tilespmem:s28+$0xFFFFFFA0];
	v7 =	vsel vm3, $0x1, v0;
	v8 =	vadd.s32 v10, v9;
	v9 =	vsel vm4, $0x1, v0  }
0x78: {  	v13 =	vld [tilespmem:s28+$0xFFFFFF20];
	v10 =	vadd.s32 v12, v11;
	v11 =	vnsel vm4, $0x0, v5;
	v5 =	vadd.s32 v5, v6  }
0x79: {  	v6 =	vld [tilespmem:s24+$0x9C40];
	vm5 =	vgt.f32 v23, v22;
	vm4 =	vgt.f32 v21, v20;
	vm7 =	vgt.f32 v28, v27  }
0x7a: {  	v12 =	vld [tilespmem:s24+$0x9C10];
	vm8 =	vgt.f32 v26, v25;
	vm6 =	vgt.f32 v24, v17;
	v8 =	vadd.s32 v9, v8  }
0x7b: {  	v9 =	vnsel vm3, $0x0, v3;
	v10 =	vadd.s32 v11, v10;
	v7 =	vadd.s32 v7, v8;
	v8 =	vld [tilespmem:s24+$0x9C30]  }
0x7c: {  	s4 =	simm.s32 $0x200;
	vm3 =	vgt.f32 v19, v18;
	v11 =	vadd.s32 v9, v10;
	v10 =	vadd.s32 v3, v5;
	v9 =	vld [tilespmem:s24+$0x9C20]  }
.LBB2_4:
0x7d: {  	p0 =	sne.s32 s4, $0x2E00;
	v3 =	vld [tilespmem:s24+$0x9C00];
	vm9 =	vgt.f32 v16, v15;
	vm10 =	vgt.f32 v14, v13;
	v5 =	vsel vm3, $0x1, v0;
	s28 =	sadd.s32 $0x100, s28  }
0x7e: {  	v13 =	vsel vm4, $0x1, v0;
	v14 =	vnsel vm4, $0x0, v2;
	v15 =	vnsel vm3, $0x0, v1;
	v17 =	vld [tilespmem:s28+$0xFFFFFF80]  }
0x7f: {  	s24 =	sshra.s32 s4, $0x2;
	v16 =	vsel vm6, $0x1, v0;
	v19 =	vsel vm5, $0x1, v0;
	v20 =	vnsel vm5, $0x0, v4;
	v18 =	vld [tilespmem:s28+$0x0]  }
0x80: {  	v22 =	vsel vm8, $0x1, v0;
	v24 =	vnsel vm6, $0x0, v6;
	v23 =	vnsel vm8, $0x0, v8;
	v21 =	vld [tilespmem:s24+$0x9C70]  }
0x81: {  	v27 =	vsel vm7, $0x1, v0;
	v26 =	vsel vm10, $0x1, v0;
	v28 =	vnsel vm7, $0x0, v9;
	v25 =	vld [tilespmem:s28+$0xFFFFFF70]  }
0x82: {  	v30 =	vsel vm9, $0x1, v0;
	v32 =	vnsel vm10, $0x0, v12;
	v29 =	vld [tilespmem:s28+$0xFFFFFFF0];
	v31 =	vnsel vm9, $0x0, v3  }
0x83: {  	v7 =	vadd.s32 v30, v7;
	v3 =	vadd.s32 v10, v3;
	v33 =	vld [tilespmem:s24+$0x9C60];
	v11 =	vadd.s32 v11, v31  }
0x84: {  	v7 =	vadd.s32 v26, v7;
	v3 =	vadd.s32 v12, v3;
	v30 =	vld [tilespmem:s28+$0xFFFFFF60];
	v10 =	vadd.s32 v32, v11  }
0x85: {  	v7 =	vadd.s32 v27, v7;
	v3 =	vadd.s32 v9, v3;
	v12 =	vld [tilespmem:s28+$0xFFFFFFE0];
	v10 =	vadd.s32 v28, v10  }
0x86: {  	v7 =	vadd.s32 v22, v7;
	v3 =	vadd.s32 v8, v3;
	v9 =	vld [tilespmem:s24+$0x9C50];
	v10 =	vadd.s32 v23, v10  }
0x87: {  	v7 =	vadd.s32 v16, v7;
	v3 =	vadd.s32 v6, v3;
	v22 =	vld [tilespmem:s28+$0xFFFFFF50];
	v8 =	vadd.s32 v24, v10  }
0x88: {  	v6 =	vadd.s32 v19, v7;
	v3 =	vadd.s32 v4, v3;
	v23 =	vld [tilespmem:s28+$0xFFFFFFD0];
	v7 =	vadd.s32 v20, v8  }
0x89: {  	v8 =	vadd.s32 v13, v6;
	v3 =	vadd.s32 v2, v3;
	v2 =	vmovc v33;
	v19 =	vld [tilespmem:s28+$0xFFFFFF40];
	v6 =	vadd.s32 v14, v7  }
0x8a: {  	v7 =	vadd.s32 v5, v8;
	v10 =	vadd.s32 v1, v3;
	v1 =	vmovc v21;
	v20 =	vld [tilespmem:s28+$0xFFFFFFC0];
	v11 =	vadd.s32 v15, v6  }
0x8b: {  	v3 =	vld [tilespmem:s28+$0xFFFFFF30];
	v4 =	vmov v9  }
0x8c: {  	v5 =	vld [tilespmem:s28+$0xFFFFFFB0]  }
0x8d: {  	v13 =	vld [tilespmem:s28+$0xFFFFFF20]  }
0x8e: {  	v14 =	vld [tilespmem:s28+$0xFFFFFFA0]  }
0x8f: {  	v15 =	vld [tilespmem:s28+$0xFFFFFF10]  }
.Ltmp1:
0x90: {  	v16 =	vld [tilespmem:s28+$0xFFFFFF90];
	(pc) =	sbr.rel @p0 .LBB2_4-.Ltmp1, $4  }
0x91: {  	v6 =	vld [tilespmem:s24+$0x9C40]  }
0x92: {  	v8 =	vld [tilespmem:s24+$0x9C30]  }
0x93: {  	vm3 =	vgt.f32 v18, v17;
	vm4 =	vgt.f32 v29, v25;
	vm5 =	vgt.f32 v12, v30;
	v9 =	vld [tilespmem:s24+$0x9C20]  }
0x94: {  	s4 =	sadd.s32 $0x200, s4;
	vm6 =	vgt.f32 v23, v22;
	vm8 =	vgt.f32 v20, v19;
	vm7 =	vgt.f32 v5, v3;
	v12 =	vld [tilespmem:s24+$0x9C10]  }
0x95: {  	v17 =	vld [tilespmem:s24+$0x9C00];
	_ =	swait.ge [sflag:s0], $0x1800  }
0x96: {  	[sflag:s0] =	ssyncset.done $0x0  }
0x97: {  	[sflag:s0] =	ssyncadd.s32 $0xFFFFE800  }
0x98: {  	_ =	swait.ge [sflag:s17], $0xC00  }
0x99: {  	[sflag:s17] =	ssyncset.done $0x0  }
0x9a: {  	s28 =	simm.s32 $0x30F0;
	[sflag:s17] =	ssyncadd.s32 $0xFFFFF400  }
0x9b: {  	v18 =	vld [tilespmem:s28+$0xFFFFFF80]  }
0x9c: {  	s24 =	simm.s32 $0x0;
	v19 =	vld [tilespmem:s28+$0x0]  }
0x9d: {  	v3 =	vld [tilespmem:s24+$0xA870]  }
0x9e: {  	v20 =	vld [tilespmem:s28+$0xFFFFFF70]  }
0x9f: {  	v21 =	vld [tilespmem:s28+$0xFFFFFFF0]  }
0xa0: {  	v5 =	vld [tilespmem:s24+$0xA860]  }
0xa1: {  	vm9 =	vgt.f32 v16, v15;
	v22 =	vld [tilespmem:s28+$0xFFFFFF60]  }
0xa2: {  	v15 =	vsel vm9, $0x1, v0;
	v16 =	vnsel vm9, $0x0, v17;
	v23 =	vld [tilespmem:s28+$0xFFFFFFE0]  }
0xa3: {  	vm9 =	vgt.f32 v14, v13;
	v13 =	vadd.s32 v15, v7;
	v10 =	vadd.s32 v10, v17;
	v7 =	vld [tilespmem:s24+$0xA850]  }
0xa4: {  	v11 =	vadd.s32 v11, v16;
	v14 =	vsel vm9, $0x1, v0;
	v15 =	vnsel vm9, $0x0, v12;
	v24 =	vld [tilespmem:s28+$0xFFFFFF50]  }
0xa5: {  	v25 =	vld [tilespmem:s28+$0xFFFFFFD0];
	v10 =	vadd.s32 v12, v10;
	v13 =	vadd.s32 v14, v13;
	v14 =	vsel vm7, $0x1, v0  }
0xa6: {  	v26 =	vld [tilespmem:s28+$0xFFFFFF40];
	v11 =	vadd.s32 v15, v11;
	v15 =	vnsel vm7, $0x0, v9;
	v9 =	vadd.s32 v9, v10  }
0xa7: {  	v27 =	vld [tilespmem:s28+$0xFFFFFFC0];
	v12 =	vadd.s32 v14, v13;
	v13 =	vsel vm8, $0x1, v0;
	v14 =	vnsel vm8, $0x0, v8  }
0xa8: {  	v28 =	vld [tilespmem:s28+$0xFFFFFF30];
	v11 =	vadd.s32 v15, v11;
	v8 =	vadd.s32 v8, v9;
	v10 =	vadd.s32 v13, v12  }
0xa9: {  	v29 =	vld [tilespmem:s28+$0xFFFFFFB0];
	v11 =	vadd.s32 v14, v11;
	v12 =	vsel vm6, $0x1, v0;
	v13 =	vnsel vm6, $0x0, v6  }
0xaa: {  	v16 =	vld [tilespmem:s28+$0xFFFFFF10];
	v6 =	vadd.s32 v6, v8;
	v9 =	vadd.s32 v12, v10;
	v10 =	vsel vm5, $0x1, v0  }
0xab: {  	v17 =	vld [tilespmem:s28+$0xFFFFFF90];
	v11 =	vadd.s32 v13, v11;
	v12 =	vnsel vm5, $0x0, v4;
	v4 =	vadd.s32 v4, v6  }
0xac: {  	v15 =	vld [tilespmem:s28+$0xFFFFFFA0];
	v6 =	vsel vm3, $0x1, v0;
	v8 =	vadd.s32 v10, v9;
	v9 =	vsel vm4, $0x1, v0  }
0xad: {  	v14 =	vld [tilespmem:s28+$0xFFFFFF20];
	v10 =	vadd.s32 v12, v11;
	v11 =	vnsel vm4, $0x0, v2;
	v12 =	vnsel vm3, $0x0, v1  }
0xae: {  	v13 =	vld [tilespmem:s24+$0xA810];
	v2 =	vadd.s32 v2, v4;
	vm5 =	vgt.f32 v23, v22;
	vm4 =	vgt.f32 v21, v20  }
0xaf: {  	vm3 =	vgt.f32 v19, v18;
	vm7 =	vgt.f32 v29, v28;
	v9 =	vadd.s32 v9, v8;
	v8 =	vld [tilespmem:s24+$0xA840]  }
0xb0: {  	v11 =	vadd.s32 v11, v10;
	v10 =	vadd.s32 v6, v9;
	v9 =	vadd.s32 v1, v2;
	v1 =	vld [tilespmem:s24+$0xA830]  }
0xb1: {  	s4 =	simm.s32 $0x200;
	vm8 =	vgt.f32 v27, v26;
	vm6 =	vgt.f32 v25, v24;
	v12 =	vadd.s32 v12, v11;
	v11 =	vld [tilespmem:s24+$0xA820]  }
.LBB2_6:
0xb2: {  	p0 =	sne.s32 s4, $0x2E00;
	v2 =	vld [tilespmem:s24+$0xA800];
	vm9 =	vgt.f32 v17, v16;
	vm10 =	vgt.f32 v15, v14;
	v4 =	vsel vm3, $0x1, v0;
	s28 =	sadd.s32 $0x100, s28  }
0xb3: {  	v14 =	vsel vm4, $0x1, v0;
	v15 =	vnsel vm4, $0x0, v5;
	v16 =	vnsel vm3, $0x0, v3;
	v6 =	vld [tilespmem:s28+$0xFFFFFF80]  }
0xb4: {  	s24 =	sshra.s32 s4, $0x2;
	v17 =	vsel vm6, $0x1, v0;
	v19 =	vsel vm5, $0x1, v0;
	v20 =	vnsel vm5, $0x0, v7;
	v18 =	vld [tilespmem:s28+$0x0]  }
0xb5: {  	v22 =	vsel vm8, $0x1, v0;
	v24 =	vnsel vm6, $0x0, v8;
	v23 =	vnsel vm8, $0x0, v1;
	v21 =	vld [tilespmem:s24+$0xA870]  }
0xb6: {  	v27 =	vsel vm7, $0x1, v0;
	v26 =	vsel vm10, $0x1, v0;
	v28 =	vnsel vm7, $0x0, v11;
	v25 =	vld [tilespmem:s28+$0xFFFFFF70]  }
0xb7: {  	v30 =	vsel vm9, $0x1, v0;
	v32 =	vnsel vm10, $0x0, v13;
	v29 =	vld [tilespmem:s28+$0xFFFFFFF0];
	v31 =	vnsel vm9, $0x0, v2  }
0xb8: {  	v10 =	vadd.s32 v30, v10;
	v2 =	vadd.s32 v9, v2;
	v33 =	vld [tilespmem:s24+$0xA860];
	v12 =	vadd.s32 v12, v31  }
0xb9: {  	v9 =	vadd.s32 v26, v10;
	v2 =	vadd.s32 v13, v2;
	v30 =	vld [tilespmem:s28+$0xFFFFFF60];
	v10 =	vadd.s32 v32, v12  }
0xba: {  	v9 =	vadd.s32 v27, v9;
	v2 =	vadd.s32 v11, v2;
	v13 =	vld [tilespmem:s28+$0xFFFFFFE0];
	v10 =	vadd.s32 v28, v10  }
0xbb: {  	v9 =	vadd.s32 v22, v9;
	v1 =	vadd.s32 v1, v2;
	v11 =	vld [tilespmem:s24+$0xA850];
	v10 =	vadd.s32 v23, v10  }
0xbc: {  	v9 =	vadd.s32 v17, v9;
	v1 =	vadd.s32 v8, v1;
	v2 =	vld [tilespmem:s28+$0xFFFFFF50];
	v10 =	vadd.s32 v24, v10  }
0xbd: {  	v8 =	vadd.s32 v19, v9;
	v1 =	vadd.s32 v7, v1;
	v22 =	vld [tilespmem:s28+$0xFFFFFFD0];
	v9 =	vadd.s32 v20, v10  }
0xbe: {  	v14 =	vadd.s32 v14, v8;
	v1 =	vadd.s32 v5, v1;
	v5 =	vmovc v33;
	v19 =	vld [tilespmem:s28+$0xFFFFFF40];
	v8 =	vadd.s32 v15, v9  }
0xbf: {  	v10 =	vadd.s32 v4, v14;
	v9 =	vadd.s32 v3, v1;
	v3 =	vmovc v21;
	v20 =	vld [tilespmem:s28+$0xFFFFFFC0];
	v12 =	vadd.s32 v16, v8  }
0xc0: {  	v4 =	vld [tilespmem:s28+$0xFFFFFF30];
	v7 =	vmov v11  }
0xc1: {  	v21 =	vld [tilespmem:s28+$0xFFFFFFB0]  }
0xc2: {  	v14 =	vld [tilespmem:s28+$0xFFFFFF20]  }
0xc3: {  	v15 =	vld [tilespmem:s28+$0xFFFFFFA0]  }
0xc4: {  	v16 =	vld [tilespmem:s28+$0xFFFFFF10]  }
.Ltmp2:
0xc5: {  	v17 =	vld [tilespmem:s28+$0xFFFFFF90];
	(pc) =	sbr.rel @p0 .LBB2_6-.Ltmp2, $4  }
0xc6: {  	v8 =	vld [tilespmem:s24+$0xA840]  }
0xc7: {  	v1 =	vld [tilespmem:s24+$0xA830]  }
0xc8: {  	vm3 =	vgt.f32 v18, v6;
	vm4 =	vgt.f32 v29, v25;
	vm5 =	vgt.f32 v13, v30;
	v11 =	vld [tilespmem:s24+$0xA820]  }
0xc9: {  	s4 =	sadd.s32 $0x200, s4;
	vm6 =	vgt.f32 v22, v2;
	vm8 =	vgt.f32 v20, v19;
	vm7 =	vgt.f32 v21, v4;
	v13 =	vld [tilespmem:s24+$0xA810]  }
0xca: {  	v18 =	vld [tilespmem:s24+$0xA800];
	_ =	swait.ge [sflag:s18], $0x1800  }
0xcb: {  	[sflag:s18] =	ssyncset.done $0x0  }
0xcc: {  	[sflag:s18] =	ssyncadd.s32 $0xFFFFE800  }
0xcd: {  	_ =	swait.ge [sflag:s19], $0xC00  }
0xce: {  	[sflag:s19] =	ssyncset.done $0x0  }
0xcf: {  	s28 =	simm.s32 $0xB470;
	[sflag:s19] =	ssyncadd.s32 $0xFFFFF400  }
0xd0: {  	v2 =	vld [tilespmem:s28+$0x0]  }
0xd1: {  	v4 =	vld [tilespmem:s28+$0xFFFFFFF0]  }
0xd2: {  	s4 =	simm.s32 $0x0;
	v6 =	vld [tilespmem:s28+$0xFFFFFFE0]  }
0xd3: {  	v23 =	vld [tilespmem:s4+$0x4870]  }
0xd4: {  	v24 =	vld [tilespmem:s4+$0x48F0]  }
0xd5: {  	v25 =	vld [tilespmem:s4+$0x4860]  }
0xd6: {  	vm9 =	vgt.f32 v17, v16;
	v26 =	vld [tilespmem:s4+$0x48E0]  }
0xd7: {  	vm15 =	vgt.f32 v15, v14;
	v16 =	vsel vm9, $0x1, v0;
	v27 =	vld [tilespmem:s4+$0x4850]  }
0xd8: {  	v14 =	vsel vm15, $0x1, v0;
	v10 =	vadd.s32 v16, v10;
	v19 =	vnsel vm8, $0x0, v1;
	v28 =	vld [tilespmem:s4+$0x48D0]  }
0xd9: {  	v14 =	vadd.s32 v14, v10;
	v17 =	vnsel vm9, $0x0, v18;
	v16 =	vadd.s32 v9, v18;
	v9 =	vld [tilespmem:s4+$0x4840]  }
0xda: {  	v15 =	vnsel vm15, $0x0, v13;
	v18 =	vnsel vm7, $0x0, v11;
	v12 =	vadd.s32 v12, v17;
	v10 =	vld [tilespmem:s4+$0x48C0]  }
0xdb: {  	v17 =	vsel vm7, $0x1, v0;
	v13 =	vadd.s32 v13, v16;
	v16 =	vld [tilespmem:s4+$0x48B0];
	v12 =	vadd.s32 v15, v12  }
0xdc: {  	v20 =	vld [tilespmem:s4+$0x48A0];
	v14 =	vadd.s32 v17, v14;
	v17 =	vsel vm8, $0x1, v0;
	v11 =	vadd.s32 v11, v13  }
0xdd: {  	v21 =	vld [tilespmem:s4+$0x4800];
	v12 =	vadd.s32 v18, v12;
	v13 =	vadd.s32 v17, v14;
	v14 =	vsel vm6, $0x1, v0  }
0xde: {  	v22 =	vld [tilespmem:s4+$0x4880];
	v17 =	vnsel vm6, $0x0, v8;
	v1 =	vadd.s32 v1, v11;
	v12 =	vadd.s32 v19, v12  }
0xdf: {  	v15 =	vld [tilespmem:s4+$0x4830];
	v11 =	vadd.s32 v14, v13;
	v13 =	vsel vm5, $0x1, v0;
	v14 =	vnsel vm5, $0x0, v7  }
0xe0: {  	v18 =	vld [tilespmem:s4+$0x4820];
	v1 =	vadd.s32 v8, v1;
	v12 =	vadd.s32 v17, v12;
	v8 =	vadd.s32 v13, v11  }
0xe1: {  	v19 =	vld [tilespmem:s4+$0x4890];
	v11 =	vsel vm4, $0x1, v0;
	v1 =	vadd.s32 v7, v1;
	v13 =	vsel vm3, $0x1, v0  }
0xe2: {  	v17 =	vld [tilespmem:s4+$0x4810];
	v7 =	vnsel vm4, $0x0, v5;
	v12 =	vadd.s32 v14, v12;
	v8 =	vadd.s32 v11, v8  }
0xe3: {  	v11 =	vnsel vm3, $0x0, v3;
	v1 =	vadd.s32 v5, v1;
	v12 =	vadd.s32 v7, v12;
	v7 =	vld [tilespmem:s28+$0xFFFFFFD0]  }
0xe4: {  	vm5 =	vgt.f32 v28, v27;
	vm4 =	vgt.f32 v26, v25;
	v13 =	vadd.s32 v13, v8;
	v8 =	vld [tilespmem:s28+$0xFFFFFFC0]  }
0xe5: {  	s4 =	simm.s32 $0x400;
	vm3 =	vgt.f32 v24, v23;
	v14 =	vadd.s32 v11, v12;
	v12 =	vadd.s32 v3, v1;
	v11 =	vld [tilespmem:s28+$0xFFFFFFB0]  }
.LBB2_8:
0xe6: {  	p0 =	sne.s32 s4, $0x5C00;
	v1 =	vld [tilespmem:s28+$0xFFFFFFA0];
	vm6 =	vgt.f32 v20, v18;
	vm7 =	vgt.f32 v16, v15;
	vm8 =	vgt.f32 v10, v9  }
0xe7: {  	vm10 =	vgt.f32 v19, v17;
	v5 =	vsel vm3, $0x1, v0;
	v3 =	vld [tilespmem:s28+$0xFFFFFF90];
	vm9 =	vgt.f32 v22, v21;
	s28 =	sadd.s32 $0x80, s28  }
0xe8: {  	v16 =	vsel vm4, $0x1, v0;
	v18 =	vnsel vm4, $0x0, v4;
	v19 =	vnsel vm3, $0x0, v2;
	v17 =	vld [tilespmem:s28+$0x0]  }
0xe9: {  	v15 =	vsel vm5, $0x1, v0;
	v10 =	vsel vm8, $0x1, v0;
	v21 =	vnsel vm5, $0x0, v6;
	v20 =	vld [tilespmem:s28+$0xFFFFFFF0]  }
0xea: {  	s24 =	sshra.s32 s4, $0x2;
	v9 =	vsel vm7, $0x1, v0;
	v24 =	vnsel vm8, $0x0, v7;
	v23 =	vnsel vm7, $0x0, v8;
	v22 =	vld [tilespmem:s28+$0xFFFFFFE0]  }
0xeb: {  	v26 =	vsel vm10, $0x1, v0;
	v27 =	vsel vm6, $0x1, v0;
	v28 =	vnsel vm6, $0x0, v11;
	v25 =	vld [tilespmem:s24+$0x4870]  }
0xec: {  	v30 =	vsel vm9, $0x1, v0;
	v32 =	vnsel vm10, $0x0, v1;
	v29 =	vld [tilespmem:s24+$0x48F0];
	v31 =	vnsel vm9, $0x0, v3  }
0xed: {  	v13 =	vadd.s32 v30, v13;
	v3 =	vadd.s32 v12, v3;
	v33 =	vld [tilespmem:s24+$0x4860];
	v14 =	vadd.s32 v14, v31  }
0xee: {  	v12 =	vadd.s32 v26, v13;
	v1 =	vadd.s32 v1, v3;
	v30 =	vld [tilespmem:s24+$0x48E0];
	v13 =	vadd.s32 v32, v14  }
0xef: {  	v12 =	vadd.s32 v27, v12;
	v1 =	vadd.s32 v11, v1;
	v3 =	vld [tilespmem:s24+$0x4850];
	v13 =	vadd.s32 v28, v13  }
0xf0: {  	v11 =	vadd.s32 v9, v12;
	v1 =	vadd.s32 v8, v1;
	v26 =	vld [tilespmem:s24+$0x48D0];
	v12 =	vadd.s32 v23, v13  }
0xf1: {  	v8 =	vadd.s32 v10, v11;
	v1 =	vadd.s32 v7, v1;
	v9 =	vld [tilespmem:s24+$0x4840];
	v11 =	vadd.s32 v24, v12  }
0xf2: {  	v7 =	vadd.s32 v15, v8;
	v1 =	vadd.s32 v6, v1;
	v6 =	vmovc v22;
	v10 =	vld [tilespmem:s24+$0x48C0];
	v8 =	vadd.s32 v21, v11  }
0xf3: {  	v7 =	vadd.s32 v16, v7;
	v1 =	vadd.s32 v4, v1;
	v4 =	vmovc v20;
	v15 =	vld [tilespmem:s24+$0x4830];
	v8 =	vadd.s32 v18, v8  }
0xf4: {  	v13 =	vadd.s32 v5, v7;
	v12 =	vadd.s32 v2, v1;
	v2 =	vmovc v17;
	v16 =	vld [tilespmem:s24+$0x48B0];
	v14 =	vadd.s32 v19, v8  }
0xf5: {  	v18 =	vld [tilespmem:s24+$0x4820]  }
0xf6: {  	v20 =	vld [tilespmem:s24+$0x48A0]  }
0xf7: {  	v17 =	vld [tilespmem:s24+$0x4810]  }
0xf8: {  	v19 =	vld [tilespmem:s24+$0x4890]  }
.Ltmp3:
0xf9: {  	v21 =	vld [tilespmem:s24+$0x4800];
	(pc) =	sbr.rel @p0 .LBB2_8-.Ltmp3, $4  }
0xfa: {  	v22 =	vld [tilespmem:s24+$0x4880]  }
0xfb: {  	v7 =	vld [tilespmem:s28+$0xFFFFFFD0]  }
0xfc: {  	v8 =	vld [tilespmem:s28+$0xFFFFFFC0]  }
0xfd: {  	s4 =	sadd.s32 $0x400, s4;
	vm3 =	vgt.f32 v29, v25;
	vm4 =	vgt.f32 v30, v33;
	vm5 =	vgt.f32 v26, v3;
	v11 =	vld [tilespmem:s28+$0xFFFFFFB0]  }
0xfe: {  	v23 =	vld [tilespmem:s28+$0xFFFFFFA0]  }
0xff: {  	v24 =	vld [tilespmem:s28+$0xFFFFFF90];
	_ =	swait.ge [sflag:s20], $0x1800  }
0x100: {  	[sflag:s20] =	ssyncset.done $0x0  }
0x101: {  	[sflag:s20] =	ssyncadd.s32 $0xFFFFE800  }
0x102: {  	_ =	swait.ge [sflag:s21], $0xC00  }
0x103: {  	[sflag:s21] =	ssyncset.done $0x0  }
0x104: {  	s28 =	simm.s32 $0xC070;
	[sflag:s21] =	ssyncadd.s32 $0xFFFFF400  }
0x105: {  	v1 =	vld [tilespmem:s28+$0x0]  }
0x106: {  	v3 =	vld [tilespmem:s28+$0xFFFFFFF0]  }
0x107: {  	s4 =	simm.s32 $0x0;
	v5 =	vld [tilespmem:s28+$0xFFFFFFE0]  }
0x108: {  	v25 =	vld [tilespmem:s4+$0x6070]  }
0x109: {  	v26 =	vld [tilespmem:s4+$0x60F0]  }
0x10a: {  	v27 =	vld [tilespmem:s4+$0x6060]  }
0x10b: {  	vm6 =	vgt.f32 v20, v18;
	vm7 =	vgt.f32 v16, v15;
	vm8 =	vgt.f32 v22, v21;
	v28 =	vld [tilespmem:s4+$0x60E0]  }
0x10c: {  	vm9 =	vgt.f32 v10, v9;
	vm15 =	vgt.f32 v19, v17;
	v9 =	vsel vm8, $0x1, v0;
	v29 =	vld [tilespmem:s4+$0x6050]  }
0x10d: {  	v13 =	vadd.s32 v9, v13;
	v18 =	vnsel vm7, $0x0, v8;
	v17 =	vnsel vm6, $0x0, v11;
	v30 =	vld [tilespmem:s4+$0x60D0]  }
0x10e: {  	v10 =	vnsel vm8, $0x0, v24;
	v15 =	vnsel vm15, $0x0, v23;
	v12 =	vadd.s32 v12, v24;
	v9 =	vld [tilespmem:s4+$0x6040]  }
0x10f: {  	v10 =	vadd.s32 v14, v10;
	v14 =	vsel vm15, $0x1, v0;
	v12 =	vadd.s32 v23, v12;
	v20 =	vld [tilespmem:s4+$0x60A0]  }
0x110: {  	v19 =	vld [tilespmem:s4+$0x6090];
	v13 =	vadd.s32 v14, v13;
	v14 =	vsel vm6, $0x1, v0;
	v16 =	vadd.s32 v15, v10  }
0x111: {  	v21 =	vld [tilespmem:s4+$0x6000];
	v11 =	vadd.s32 v11, v12;
	v13 =	vadd.s32 v14, v13;
	v14 =	vsel vm7, $0x1, v0  }
0x112: {  	v22 =	vld [tilespmem:s4+$0x6080];
	v17 =	vadd.s32 v17, v16;
	v8 =	vadd.s32 v8, v11;
	v12 =	vadd.s32 v14, v13  }
0x113: {  	v10 =	vld [tilespmem:s4+$0x60C0];
	v13 =	vadd.s32 v18, v17;
	v14 =	vsel vm9, $0x1, v0;
	v17 =	vnsel vm9, $0x0, v7  }
0x114: {  	v15 =	vld [tilespmem:s4+$0x6030];
	v7 =	vadd.s32 v7, v8;
	v11 =	vadd.s32 v14, v12;
	v12 =	vsel vm5, $0x1, v0  }
0x115: {  	v16 =	vld [tilespmem:s4+$0x60B0];
	v13 =	vadd.s32 v17, v13;
	v14 =	vnsel vm5, $0x0, v6;
	v6 =	vadd.s32 v6, v7  }
0x116: {  	v18 =	vld [tilespmem:s4+$0x6020];
	v7 =	vnsel vm4, $0x0, v4;
	v8 =	vadd.s32 v12, v11;
	v11 =	vsel vm4, $0x1, v0  }
0x117: {  	v17 =	vld [tilespmem:s4+$0x6010];
	v12 =	vadd.s32 v14, v13;
	v13 =	vsel vm3, $0x1, v0;
	v4 =	vadd.s32 v4, v6  }
0x118: {  	vm5 =	vgt.f32 v30, v29;
	v8 =	vadd.s32 v11, v8;
	v12 =	vadd.s32 v7, v12;
	v7 =	vld [tilespmem:s28+$0xFFFFFFD0]  }
0x119: {  	vm4 =	vgt.f32 v28, v27;
	v11 =	vnsel vm3, $0x0, v2;
	v13 =	vadd.s32 v13, v8;
	v8 =	vld [tilespmem:s28+$0xFFFFFFC0]  }
0x11a: {  	s4 =	simm.s32 $0x400;
	vm3 =	vgt.f32 v26, v25;
	v14 =	vadd.s32 v11, v12;
	v12 =	vadd.s32 v2, v4;
	v11 =	vld [tilespmem:s28+$0xFFFFFFB0]  }
.LBB2_10:
0x11b: {  	p0 =	sne.s32 s4, $0x5C00;
	v2 =	vld [tilespmem:s28+$0xFFFFFFA0];
	vm6 =	vgt.f32 v20, v18;
	vm7 =	vgt.f32 v16, v15;
	vm8 =	vgt.f32 v10, v9  }
0x11c: {  	vm10 =	vgt.f32 v19, v17;
	v6 =	vsel vm3, $0x1, v0;
	v4 =	vld [tilespmem:s28+$0xFFFFFF90];
	vm9 =	vgt.f32 v22, v21;
	s28 =	sadd.s32 $0x80, s28  }
0x11d: {  	v16 =	vsel vm4, $0x1, v0;
	v18 =	vnsel vm4, $0x0, v3;
	v19 =	vnsel vm3, $0x0, v1;
	v17 =	vld [tilespmem:s28+$0x0]  }
0x11e: {  	v15 =	vsel vm5, $0x1, v0;
	v10 =	vsel vm8, $0x1, v0;
	v21 =	vnsel vm5, $0x0, v5;
	v20 =	vld [tilespmem:s28+$0xFFFFFFF0]  }
0x11f: {  	s24 =	sshra.s32 s4, $0x2;
	v9 =	vsel vm7, $0x1, v0;
	v24 =	vnsel vm8, $0x0, v7;
	v23 =	vnsel vm7, $0x0, v8;
	v22 =	vld [tilespmem:s28+$0xFFFFFFE0]  }
0x120: {  	v26 =	vsel vm10, $0x1, v0;
	v27 =	vsel vm6, $0x1, v0;
	v28 =	vnsel vm6, $0x0, v11;
	v25 =	vld [tilespmem:s24+$0x6070]  }
0x121: {  	v30 =	vsel vm9, $0x1, v0;
	v32 =	vnsel vm10, $0x0, v2;
	v29 =	vld [tilespmem:s24+$0x60F0];
	v31 =	vnsel vm9, $0x0, v4  }
0x122: {  	v13 =	vadd.s32 v30, v13;
	v4 =	vadd.s32 v12, v4;
	v33 =	vld [tilespmem:s24+$0x6060];
	v14 =	vadd.s32 v14, v31  }
0x123: {  	v12 =	vadd.s32 v26, v13;
	v2 =	vadd.s32 v2, v4;
	v30 =	vld [tilespmem:s24+$0x60E0];
	v13 =	vadd.s32 v32, v14  }
0x124: {  	v12 =	vadd.s32 v27, v12;
	v2 =	vadd.s32 v11, v2;
	v4 =	vld [tilespmem:s24+$0x6050];
	v13 =	vadd.s32 v28, v13  }
0x125: {  	v11 =	vadd.s32 v9, v12;
	v2 =	vadd.s32 v8, v2;
	v26 =	vld [tilespmem:s24+$0x60D0];
	v12 =	vadd.s32 v23, v13  }
0x126: {  	v8 =	vadd.s32 v10, v11;
	v2 =	vadd.s32 v7, v2;
	v9 =	vld [tilespmem:s24+$0x6040];
	v11 =	vadd.s32 v24, v12  }
0x127: {  	v7 =	vadd.s32 v15, v8;
	v2 =	vadd.s32 v5, v2;
	v5 =	vmovc v22;
	v10 =	vld [tilespmem:s24+$0x60C0];
	v8 =	vadd.s32 v21, v11  }
0x128: {  	v7 =	vadd.s32 v16, v7;
	v2 =	vadd.s32 v3, v2;
	v3 =	vmovc v20;
	v15 =	vld [tilespmem:s24+$0x6030];
	v8 =	vadd.s32 v18, v8  }
0x129: {  	v13 =	vadd.s32 v6, v7;
	v12 =	vadd.s32 v1, v2;
	v1 =	vmovc v17;
	v16 =	vld [tilespmem:s24+$0x60B0];
	v14 =	vadd.s32 v19, v8  }
0x12a: {  	v18 =	vld [tilespmem:s24+$0x6020]  }
0x12b: {  	v20 =	vld [tilespmem:s24+$0x60A0]  }
0x12c: {  	v17 =	vld [tilespmem:s24+$0x6010]  }
0x12d: {  	v19 =	vld [tilespmem:s24+$0x6090]  }
.Ltmp4:
0x12e: {  	v21 =	vld [tilespmem:s24+$0x6000];
	(pc) =	sbr.rel @p0 .LBB2_10-.Ltmp4, $4  }
0x12f: {  	v22 =	vld [tilespmem:s24+$0x6080]  }
0x130: {  	v7 =	vld [tilespmem:s28+$0xFFFFFFD0]  }
0x131: {  	v8 =	vld [tilespmem:s28+$0xFFFFFFC0]  }
0x132: {  	s4 =	sadd.s32 $0x400, s4;
	vm3 =	vgt.f32 v29, v25;
	vm4 =	vgt.f32 v30, v33;
	vm5 =	vgt.f32 v26, v4;
	v11 =	vld [tilespmem:s28+$0xFFFFFFB0]  }
0x133: {  	v23 =	vld [tilespmem:s28+$0xFFFFFFA0]  }
0x134: {  	v24 =	vld [tilespmem:s28+$0xFFFFFF90];
	_ =	swait.ge [sflag:s22], $0x1800  }
0x135: {  	[sflag:s22] =	ssyncset.done $0x0  }
0x136: {  	[sflag:s22] =	ssyncadd.s32 $0xFFFFE800  }
0x137: {  	_ =	swait.ge [sflag:s23], $0xC00  }
0x138: {  	[sflag:s23] =	ssyncset.done $0x0  }
0x139: {  	s28 =	simm.s32 $0xCC70;
	[sflag:s23] =	ssyncadd.s32 $0xFFFFF400  }
0x13a: {  	v2 =	vld [tilespmem:s28+$0x0]  }
0x13b: {  	v4 =	vld [tilespmem:s28+$0xFFFFFFF0]  }
0x13c: {  	s4 =	simm.s32 $0x0;
	v6 =	vld [tilespmem:s28+$0xFFFFFFE0]  }
0x13d: {  	v25 =	vld [tilespmem:s4+$0x7870]  }
0x13e: {  	v26 =	vld [tilespmem:s4+$0x78F0]  }
0x13f: {  	v27 =	vld [tilespmem:s4+$0x7860]  }
0x140: {  	vm6 =	vgt.f32 v20, v18;
	vm7 =	vgt.f32 v16, v15;
	vm9 =	vgt.f32 v10, v9;
	v20 =	vld [tilespmem:s4+$0x78E0]  }
0x141: {  	vm15 =	vgt.f32 v19, v17;
	v60 =	vsel vm4, $0x1, v0;
	vm8 =	vgt.f32 v22, v21;
	v58 =	vld [tilespmem:s4+$0x7850]  }
0x142: {  	v61 =	vnsel vm4, $0x0, v3;
	v9 =	vsel vm8, $0x1, v0;
	v10 =	vnsel vm8, $0x0, v24;
	v59 =	vld [tilespmem:s4+$0x78D0]  }
0x143: {  	v13 =	vadd.s32 v9, v13;
	v10 =	vadd.s32 v14, v10;
	v14 =	vsel vm15, $0x1, v0;
	v9 =	vld [tilespmem:s4+$0x7840]  }
0x144: {  	v16 =	vadd.s32 v12, v24;
	v12 =	vld [tilespmem:s4+$0x78C0];
	v13 =	vadd.s32 v14, v13;
	v14 =	vsel vm6, $0x1, v0  }
0x145: {  	v18 =	vsel vm7, $0x1, v0;
	v15 =	vnsel vm15, $0x0, v23;
	v17 =	vadd.s32 v14, v13;
	v13 =	vld [tilespmem:s4+$0x7830]  }
0x146: {  	v16 =	vadd.s32 v23, v16;
	v10 =	vadd.s32 v15, v10;
	v15 =	vnsel vm6, $0x0, v11;
	v14 =	vld [tilespmem:s4+$0x78B0]  }
0x147: {  	v19 =	vnsel vm7, $0x0, v8;
	v10 =	vadd.s32 v15, v10;
	v15 =	vadd.s32 v11, v16;
	v11 =	vld [tilespmem:s4+$0x7820]  }
0x148: {  	v16 =	vld [tilespmem:s4+$0x78A0];
	v17 =	vadd.s32 v18, v17;
	v10 =	vadd.s32 v19, v10;
	v18 =	vsel vm9, $0x1, v0  }
0x149: {  	v8 =	vadd.s32 v8, v15;
	v15 =	vld [tilespmem:s4+$0x7810];
	v17 =	vadd.s32 v18, v17;
	v18 =	vsel vm5, $0x1, v0  }
0x14a: {  	v19 =	vnsel vm9, $0x0, v7;
	v7 =	vadd.s32 v7, v8;
	v8 =	vadd.s32 v18, v17;
	v17 =	vld [tilespmem:s4+$0x7890]  }
0x14b: {  	v62 =	vnsel vm3, $0x0, v1;
	v10 =	vadd.s32 v19, v10;
	v19 =	vnsel vm5, $0x0, v5;
	v18 =	vld [tilespmem:s4+$0x7800]  }
0x14c: {  	v10 =	vadd.s32 v19, v10;
	v5 =	vadd.s32 v5, v7;
	v7 =	vsel vm3, $0x1, v0;
	v19 =	vld [tilespmem:s4+$0x7880]  }
0x14d: {  	vm3 =	vgt.f32 v59, v58;
	v8 =	vadd.s32 v60, v8;
	v63 =	vadd.s32 v3, v5;
	v3 =	vld [tilespmem:s28+$0xFFFFFFD0]  }
0x14e: {  	v10 =	vadd.s32 v61, v10;
	v5 =	vadd.s32 v7, v8;
	v7 =	vadd.s32 v1, v63;
	v1 =	vld [tilespmem:s28+$0xFFFFFFC0]  }
0x14f: {  	vm5 =	vgt.f32 v20, v27;
	vm4 =	vgt.f32 v26, v25;
	s4 =	simm.s32 $0x400;
	v8 =	vadd.s32 v62, v10;
	v10 =	vld [tilespmem:s28+$0xFFFFFFB0]  }
.LBB2_12:
0x150: {  	p0 =	sne.s32 s4, $0x5C00;
	v20 =	vld [tilespmem:s28+$0xFFFFFFA0];
	vm6 =	vgt.f32 v16, v11;
	vm7 =	vgt.f32 v14, v13;
	vm8 =	vgt.f32 v12, v9  }
0x151: {  	vm10 =	vgt.f32 v17, v15;
	v11 =	vsel vm4, $0x1, v0;
	v9 =	vld [tilespmem:s28+$0xFFFFFF90];
	vm9 =	vgt.f32 v19, v18;
	s28 =	sadd.s32 $0x80, s28  }
0x152: {  	v14 =	vsel vm5, $0x1, v0;
	v16 =	vnsel vm5, $0x0, v4;
	v17 =	vnsel vm4, $0x0, v2;
	v15 =	vld [tilespmem:s28+$0x0]  }
0x153: {  	v13 =	vsel vm3, $0x1, v0;
	v12 =	vsel vm8, $0x1, v0;
	v19 =	vnsel vm3, $0x0, v6;
	v18 =	vld [tilespmem:s28+$0xFFFFFFF0]  }
0x154: {  	s24 =	sshra.s32 s4, $0x2;
	v22 =	vsel vm7, $0x1, v0;
	v24 =	vnsel vm8, $0x0, v3;
	v23 =	vnsel vm7, $0x0, v1;
	v21 =	vld [tilespmem:s28+$0xFFFFFFE0]  }
0x155: {  	v26 =	vsel vm10, $0x1, v0;
	v27 =	vsel vm6, $0x1, v0;
	v28 =	vnsel vm6, $0x0, v10;
	v25 =	vld [tilespmem:s24+$0x7870]  }
0x156: {  	v30 =	vsel vm9, $0x1, v0;
	v32 =	vnsel vm10, $0x0, v20;
	v29 =	vld [tilespmem:s24+$0x78F0];
	v31 =	vnsel vm9, $0x0, v9  }
0x157: {  	v5 =	vadd.s32 v30, v5;
	v7 =	vadd.s32 v7, v9;
	v33 =	vld [tilespmem:s24+$0x7860];
	v8 =	vadd.s32 v8, v31  }
0x158: {  	v5 =	vadd.s32 v26, v5;
	v7 =	vadd.s32 v20, v7;
	v30 =	vld [tilespmem:s24+$0x78E0];
	v8 =	vadd.s32 v32, v8  }
0x159: {  	v5 =	vadd.s32 v27, v5;
	v7 =	vadd.s32 v10, v7;
	v20 =	vld [tilespmem:s24+$0x7850];
	v8 =	vadd.s32 v28, v8  }
0x15a: {  	v5 =	vadd.s32 v22, v5;
	v1 =	vadd.s32 v1, v7;
	v26 =	vld [tilespmem:s24+$0x78D0];
	v8 =	vadd.s32 v23, v8  }
0x15b: {  	v5 =	vadd.s32 v12, v5;
	v1 =	vadd.s32 v3, v1;
	v9 =	vld [tilespmem:s24+$0x7840];
	v7 =	vadd.s32 v24, v8  }
0x15c: {  	v3 =	vadd.s32 v13, v5;
	v1 =	vadd.s32 v6, v1;
	v6 =	vmovc v21;
	v12 =	vld [tilespmem:s24+$0x78C0];
	v5 =	vadd.s32 v19, v7  }
0x15d: {  	v3 =	vadd.s32 v14, v3;
	v1 =	vadd.s32 v4, v1;
	v4 =	vmovc v18;
	v13 =	vld [tilespmem:s24+$0x7830];
	v7 =	vadd.s32 v16, v5  }
0x15e: {  	v5 =	vadd.s32 v11, v3;
	v14 =	vld [tilespmem:s24+$0x78B0];
	v8 =	vadd.s32 v17, v7;
	v7 =	vadd.s32 v2, v1;
	v2 =	vmovc v15  }
0x15f: {  	v11 =	vld [tilespmem:s24+$0x7820]  }
0x160: {  	v16 =	vld [tilespmem:s24+$0x78A0]  }
0x161: {  	v15 =	vld [tilespmem:s24+$0x7810]  }
0x162: {  	v17 =	vld [tilespmem:s24+$0x7890]  }
.Ltmp5:
0x163: {  	v18 =	vld [tilespmem:s24+$0x7800];
	(pc) =	sbr.rel @p0 .LBB2_12-.Ltmp5, $4  }
0x164: {  	v19 =	vld [tilespmem:s24+$0x7880]  }
0x165: {  	v3 =	vld [tilespmem:s28+$0xFFFFFFD0]  }
0x166: {  	v1 =	vld [tilespmem:s28+$0xFFFFFFC0]  }
0x167: {  	s4 =	sadd.s32 $0x400, s4;
	vm4 =	vgt.f32 v29, v25;
	vm5 =	vgt.f32 v30, v33;
	vm3 =	vgt.f32 v26, v20;
	v10 =	vld [tilespmem:s28+$0xFFFFFFB0]  }
0x168: {  	vm6 =	vgt.f32 v16, v11;
	vm7 =	vgt.f32 v14, v13;
	vm8 =	vgt.f32 v12, v9;
	v51 =	vld [tilespmem:s28+$0xFFFFFF90]  }
0x169: {  	v52 =	vld [tilespmem:s28+$0xFFFFFFA0];
	vm10 =	vgt.f32 v17, v15;
	v53 =	vsel vm4, $0x1, v0;
	v54 =	vsel vm5, $0x1, v0  }
0x16a: {  	v55 =	vnsel vm5, $0x0, v4;
	v56 =	vnsel vm4, $0x0, v2;
	v58 =	vsel vm3, $0x1, v0  }
0x16b: {  	v59 =	vnsel vm3, $0x0, v6;
	vm9 =	vgt.f32 v19, v18;
	v57 =	vsel vm8, $0x1, v0  }
0x16c: {  	v60 =	vsel vm7, $0x1, v0;
	v22 =	vsel vm10, $0x1, v0;
	v23 =	vsel vm6, $0x1, v0  }
0x16d: {  	v21 =	vnsel vm8, $0x0, v3;
	v25 =	vsel vm9, $0x1, v0;
	v24 =	vnsel vm9, $0x0, v51  }
0x16e: {  	v20 =	vnsel vm7, $0x0, v1;
	v26 =	vnsel vm10, $0x0, v52;
	v8 =	vadd.s32 v8, v24  }
0x16f: {  	v5 =	vadd.s32 v25, v5;
	v61 =	vnsel vm6, $0x0, v10;
	v8 =	vadd.s32 v26, v8  }
0x170: {  	v5 =	vadd.s32 v22, v5;
	v7 =	vadd.s32 v7, v51;
	v8 =	vadd.s32 v61, v8  }
0x171: {  	v5 =	vadd.s32 v23, v5;
	v7 =	vadd.s32 v52, v7;
	v8 =	vadd.s32 v20, v8  }
0x172: {  	v5 =	vadd.s32 v60, v5;
	v7 =	vadd.s32 v10, v7;
	v8 =	vadd.s32 v21, v8  }
0x173: {  	v5 =	vadd.s32 v57, v5;
	v1 =	vadd.s32 v1, v7;
	v62 =	vadd.s32 v59, v8  }
0x174: {  	v1 =	vadd.s32 v3, v1;
	v3 =	vadd.s32 v58, v5;
	v63 =	vadd.s32 v55, v62  }
0x175: {  	v1 =	vadd.s32 v6, v1;
	v3 =	vadd.s32 v54, v3;
	v5 =	vadd.s32 v56, v63  }
0x176: {  	v1 =	vadd.s32 v4, v1;
	v3 =	vadd.s32 v53, v3;
	(xrf0) =	vadd.scan.msk.s32 $0xffff, v5  }
0x177: {  	v1 =	vadd.s32 v2, v1;
	(xrf0) =	vadd.scan.msk.s32 $0xffff, v3  }
0x178: {  	(xrf0) =	vadd.scan.msk.s32 $0xffff, v1;
	_ =	sdelay $0x3  }
0x179: {  	v1, _, _ =	vpop (xrf0)  }
0x17a: {  	v2, _, _ =	vpop (xrf0)  }
0x17b: {  	v3, _, _ =	vpop (xrf0)  }
0x17c: {  	v3 =	vbroadcast v3, $0xF  }
0x17d: {  	v2 =	vbroadcast v2, $0xF  }
0x17e: {  	v1 =	vbroadcast v1, $0xF;
	v3 =	vnsel vm0, $0x0, v3  }
0x17f: {  	s26 =	sadd.s32 $0x1, s26;
	v2 =	vsel vm1, v3, v2  }
0x180: {  	p0 =	sne.s32 s26, s16;
	v1 =	vsel vm2, v2, v1  }
.Ltmp6:
0x181: {  	s4 =	simm.s32 $0xD800;
	[tilespmem:$0xD800] =	vst v1;
	(pc) =	sbr.rel @p0 .LBB2_1-.Ltmp6, $4  }
0x182: {  	[hbm4b:s15+s2] =	stream.linear.scatter [tilespmem:s4], [sflag:$0xD], $0x80, $0x38;
	[tilespmem:$0xD880] =	vst v63  }
0x183: {  	_ =	swait.ge [sflag:s25], $0x80  }
0x184: {  	[sflag:s25] =	ssyncset.done $0x0  }
0x185: {  	[sflag:s25] =	ssyncadd.s32 $0xFFFFFF80  }
0x186: {  	_ =	sfence.sel $0x180000  }
0x187: {  	[bflag:$0x0] =	sbarrier.arrive $0xFFFF  }
0x188: {  	_ =	strace $0x90000047  }
0x189: {  	s0 =	stileid.u32;
	[bflag:$0x2] =	sbarrier.arrive $0xFFFF  }
0x18a: {  	p0 =	sne.s32 s0, $0x0;
	s0 =	rddreg [dreg:$0x3]  }
0x18b: {  	s0 =	sadd.s32 @!p0 $0x100000, s0  }
0x18c: {  	[sflag:s0] =	ssyncadd.tile.s32 @!p0 $0x1;
	_ =	shalt  }
.Lfunc_end2:
_tile_overlayer_lowered:
.L_overlay_start_2:
0x18d: {  	(tag) =	ssettag $0x2  }
0x18e: {  	s0 =	rddreg [dreg:$0x0];
	s2 =	stileid.u32  }
0x18f: {  	s1 =	rddreg [dreg:$0x1];
	p0 =	sne.s32 s2, $0x0  }
0x190: {  	s3 =	rddreg [dreg:$0x2];
	[bflag:$0x3] =	sbarrier.arrive $0xFFFF;
	s2 =	simm.s32 @!p0 $0x1C0D  }
0x191: {  	[timem:s3], [sflag:s2] =	dma.local @!p0 [hbm:s0], s1  }
0x192: {  	s0 =	simm.s32 @!p0 $0xD  }
0x193: {  	_ =	swait.ge @!p0 [sflag:s0], s1  }
0x194: {  	s1 =	ssub.s32 @!p0 $0x0, s1;
	[sflag:s0] =	ssyncset.done @!p0 $0x0  }
0x195: {  	[sflag:s0] =	ssyncadd.s32 @!p0 s1  }
0x196: {  	[bflag:$0x3] =	sbarrier.arrive $0xFFFF  }
0x197: {  	_ =	shalt  }

</sc_bundles>
